<compile_context>
chip_gen: v7x
topology: tpu7x:2x2x1
jax: 0.10.2.dev20260603
libtpu: 0.0.44.dev20260713+nightly
codegen_flags: <defaults>
</compile_context>

<pallas_src>
import functools

import jax
import jax.numpy as jnp
from jax import lax
from jax.experimental import pallas as pl
from jax.experimental.pallas import tpu as pltpu
from jax.experimental.pallas import tpu_sc as plsc

NMS_MAX_OUTPUTS = 2000
IOU_THRESH = 0.3
SCORE_THRESH = 0.7
_NEG_INF = float("-inf")


def _sc_gather(table, idx):
    info = plsc.get_sparse_core_info()
    nw = info.num_cores * info.num_subcores
    m = idx.shape[0]
    ipw = m // nw
    cpw = ipw // 64
    mesh = plsc.VectorSubcoreMesh(core_axis_name="c", subcore_axis_name="s")

    @functools.partial(
        pl.kernel,
        out_type=jax.ShapeDtypeStruct((m, 8), jnp.float32),
        mesh=mesh,
        compiler_params=pltpu.CompilerParams(use_tc_tiling_on_sc=False),
        scratch_types=[
            pltpu.VMEM((ipw,), jnp.int32),
            pltpu.VMEM((64, 8), jnp.float32),
            pltpu.SemaphoreType.DMA,
        ],
    )
    def k(table_hbm, idx_hbm, out_hbm, idx_v, rows_v, sem):
        wid = lax.axis_index("s") * info.num_cores + lax.axis_index("c")
        base = wid * ipw
        pltpu.sync_copy(idx_hbm.at[pl.ds(base, ipw)], idx_v)
        for i in range(cpw):
            pltpu.async_copy(
                table_hbm.at[idx_v.at[pl.ds(i * 64, 64)]], rows_v, sem).wait()
            pltpu.sync_copy(rows_v, out_hbm.at[pl.ds(base + i * 64, 64)])

    return k(table, idx)


def _tc_nms_body(g_ref, anc_ref, out_ref, *scr_refs, b, a_valid, npc,
                 max_out):
    s_refs = [scr_refs[2 * i] for i in range(b)]
    c_refs = [scr_refs[2 * i + 1] for i in range(b)]
    out_ref[...] = jnp.zeros_like(out_ref)

    ax1 = anc_ref[0]
    ay1 = anc_ref[1]
    ax2 = anc_ref[2]
    ay2 = anc_ref[3]
    h_a = ay2 - ay1
    cy_a = (ay1 + ay2) * 0.5

    ids = (lax.broadcasted_iota(jnp.int32, (8, npc), 0) * npc
           + lax.broadcasted_iota(jnp.int32, (8, npc), 1))
    valid = ids < a_valid
    one11 = jnp.full((1, 1), 1.0, jnp.float32)

    def max2(x):
        return jnp.max(jnp.max(x, axis=1, keepdims=True), axis=0,
                       keepdims=True)

    def min2(x):
        return jnp.min(jnp.min(x, axis=1, keepdims=True), axis=0,
                       keepdims=True)

    init = []
    for i in range(b):
        d0 = g_ref[i, 0]
        d1 = g_ref[i, 1]
        cl0 = g_ref[i, 2]
        cl1 = g_ref[i, 3]
        mcl = jnp.maximum(cl0, cl1)
        e0 = jnp.exp(cl0 - mcl)
        e1 = jnp.exp(cl1 - mcl)
        fg = e1 / (e0 + e1)
        cy = cy_a + (d0 * 0.1) * h_a
        h_n = h_a * jnp.exp(d1 * 0.2)
        y1 = cy - h_n * 0.5
        y2 = cy + h_n * 0.5
        area = jnp.maximum(ax2 - ax1, 0.0) * jnp.maximum(y2 - y1, 0.0)
        s0 = jnp.where(valid & (fg >= SCORE_THRESH), fg, _NEG_INF)
        s_refs[i][...] = s0
        c_refs[i][0] = y1
        c_refs[i][1] = y2
        c_refs[i][2] = area
        mv0 = max2(s0)
        init.append((jnp.int32(0), mv0[0, 0], mv0))

    def cond(carry):
        alive = [(c[0] < max_out) & (c[1] > _NEG_INF) for c in carry]
        out = alive[0]
        for a in alive[1:]:
            out = out | a
        return out

    def body(carry):
        ks = [carry[i][0] for i in range(b)]
        ms = [carry[i][1] for i in range(b)]
        mvs = [carry[i][2] for i in range(b)]
        x1 = anc_ref[0]
        x2 = anc_ref[2]

        s_l = [s_refs[i][...] for i in range(b)]
        active_l = [(ks[i] < max_out) & (ms[i] > _NEG_INF) for i in range(b)]
        bidv_l = [min2(jnp.where(s_l[i] == mvs[i], ids, jnp.int32(2 ** 30)))
                  for i in range(b)]
        bmask_l = [ids == bidv_l[i] for i in range(b)]

        def ext(i, v):
            return max2(jnp.where(bmask_l[i], v, _NEG_INF))

        bx1_l = [ext(i, x1) for i in range(b)]
        bx2_l = [ext(i, x2) for i in range(b)]
        by1_l = [ext(i, c_refs[i][0]) for i in range(b)]
        by2_l = [ext(i, c_refs[i][1]) for i in range(b)]
        bc0_l = [ext(i, g_ref[i, 2]) for i in range(b)]
        bc1_l = [ext(i, g_ref[i, 3]) for i in range(b)]

        out_c = []
        for i in range(b):
            y1 = c_refs[i][0]
            y2 = c_refs[i][1]
            area = c_refs[i][2]
            bx1, bx2, by1, by2 = bx1_l[i], bx2_l[i], by1_l[i], by2_l[i]
            xx1 = jnp.maximum(bx1, x1)
            yy1 = jnp.maximum(by1, y1)
            xx2 = jnp.minimum(bx2, x2)
            yy2 = jnp.minimum(by2, y2)
            inter = jnp.maximum(xx2 - xx1, 0.0) * jnp.maximum(yy2 - yy1, 0.0)
            area_b = (jnp.maximum(bx2 - bx1, 0.0)
                      * jnp.maximum(by2 - by1, 0.0))
            iou = inter / (area + area_b - inter + 1e-8)
            s2 = jnp.where((iou > IOU_THRESH) | bmask_l[i], _NEG_INF, s_l[i])
            s_new = jnp.where(active_l[i], s2, s_l[i])
            s_refs[i][...] = s_new

            row = jnp.concatenate([bx1, by1, bx2, by2, mvs[i], bc0_l[i],
                                   bc1_l[i], one11], axis=1)
            k_store = jnp.where(active_l[i], ks[i], jnp.int32(max_out))
            out_ref[i, pl.ds(k_store, 1), :] = row

            mv_new = max2(s_new)
            out_c.append((ks[i] + active_l[i].astype(jnp.int32),
                          mv_new[0, 0], mv_new))
        return tuple(out_c)

    lax.while_loop(cond, body, tuple(init))


def _tc_nms(g4, anc4, b, a_valid, npc, max_out):
    body = functools.partial(_tc_nms_body, b=b, a_valid=a_valid, npc=npc,
                             max_out=max_out)
    scratch = []
    for _ in range(b):
        scratch.append(pltpu.VMEM((8, npc), jnp.float32))
        scratch.append(pltpu.VMEM((3, 8, npc), jnp.float32))
    return pl.pallas_call(
        body,
        out_shape=jax.ShapeDtypeStruct((b, max_out + 8, 8), jnp.float32),
        scratch_shapes=scratch,
    )(g4, anc4)


def kernel(deltas, side_deltas, class_logits, valid_anchors, valid_indices):
    del side_deltas
    b, n, _ = deltas.shape
    a = valid_anchors.shape[0]
    a_pad = ((a + 1023) // 1024) * 1024
    npc = a_pad // 8

    table = jnp.concatenate(
        [deltas.reshape(b * n, 2), class_logits.reshape(b * n, 2),
         jnp.zeros((b * n, 4), jnp.float32)], axis=1)

    vi = jnp.concatenate(
        [valid_indices.astype(jnp.int32), jnp.zeros((a_pad - a,), jnp.int32)])
    flat_idx = (vi[None, :] + (jnp.arange(b, dtype=jnp.int32) * n)[:, None])

    gathered = _sc_gather(table, flat_idx.reshape(b * a_pad))
    g4 = gathered.reshape(b, a_pad, 8).transpose(0, 2, 1)[:, :4]
    g4 = g4.reshape(b, 4, 8, npc)

    anc = jnp.concatenate(
        [valid_anchors, jnp.zeros((a_pad - a, 4), jnp.float32)], axis=0)
    anc4 = anc.T.reshape(4, 8, npc)

    res = _tc_nms(g4, anc4, b, a, npc, NMS_MAX_OUTPUTS)[:, :NMS_MAX_OUTPUTS]
    tag = res[..., 7:8]
    out_boxes = jnp.concatenate([res[..., 0:4], tag], axis=-1)
    out_scores = jnp.concatenate([res[..., 4:5], tag], axis=-1)
    out_logits = jnp.concatenate([res[..., 5:7], tag], axis=-1)
    return out_boxes, out_scores, out_logits

# --- scband reference (transcript-rebuilt; emitter-appended) ---
"""Pipeline reference for scband-text-proposal-68599217651819 (READ-ONLY COPY).

The authoritative reference and input builder live on the scoring server;
editing this copy changes nothing except your own understanding.
"""

import jax, jax.numpy as jnp
import numpy as np

NMS_MAX_OUTPUTS = 2000
IOU_THRESH = 0.3
SCORE_THRESH = 0.7
USE_SIDE_REFINE = False


def apply_regress(deltas, side_deltas, anchors, use_side_refine=False):
    w = anchors[:, 2] - anchors[:, 0]
    h = anchors[:, 3] - anchors[:, 1]
    cx = (anchors[:, 0] + anchors[:, 2]) * 0.5
    cy = (anchors[:, 1] + anchors[:, 3]) * 0.5
    d = jnp.concatenate([deltas, side_deltas], axis=1) * jnp.array([0.1, 0.2, 0.1], dtype=jnp.float32)
    dy, dh, dx = d[:, 0], d[:, 1], d[:, 2]
    cy = cy + dy * h
    cx = cx + dx * w
    h = h * jnp.exp(dh)
    x1 = jnp.maximum(cx - w * 0.5, 0.0)
    x2 = cx + w * 0.5
    y1 = cy - h * 0.5
    y2 = cy + h * 0.5
    if use_side_refine:
        return jnp.stack([x1, y1, x2, y2], axis=1)
    return jnp.stack([anchors[:, 0], y1, anchors[:, 2], y2], axis=1)


def nms_indices(boxes, scores, max_out, iou_thresh, score_thresh):
    # greedy NMS index selection; indices are non-differentiable (like tf.image.non_max_suppression)
    boxes = jax.lax.stop_gradient(boxes)
    scores = jax.lax.stop_gradient(scores)
    n = boxes.shape[0]
    areas = jnp.maximum(boxes[:, 2] - boxes[:, 0], 0.0) * jnp.maximum(boxes[:, 3] - boxes[:, 1], 0.0)
    s0 = jnp.where(scores >= score_thresh, scores, -jnp.inf)
    ar = jnp.arange(n)

    def step(s, _):
        best = jnp.argmax(s)
        valid = s[best] > -jnp.inf
        b = boxes[best]
        xx1 = jnp.maximum(b[0], boxes[:, 0])
        yy1 = jnp.maximum(b[1], boxes[:, 1])
        xx2 = jnp.minimum(b[2], boxes[:, 2])
        yy2 = jnp.minimum(b[3], boxes[:, 3])
        inter = jnp.maximum(xx2 - xx1, 0.0) * jnp.maximum(yy2 - yy1, 0.0)
        area_b = jnp.maximum(b[2] - b[0], 0.0) * jnp.maximum(b[3] - b[1], 0.0)
        iou = inter / (areas + area_b - inter + 1e-8)
        suppress = (iou > iou_thresh) | (ar == best)
        s_new = jnp.where(suppress, -jnp.inf, s)
        idx = jnp.where(valid, best, -1)
        return s_new, idx

    _, idxs = jax.lax.scan(step, s0, None, length=max_out)
    return idxs


def gather_pad(x, idxs):
    # gather rows at idxs, zero out padding rows, append tag column (pad_to_fixed_size)
    valid = (idxs >= 0)
    safe = jnp.where(valid, idxs, 0)
    g = jnp.take(x, safe, axis=0) * valid[:, None].astype(x.dtype)
    tag = valid[:, None].astype(x.dtype)
    return jnp.concatenate([g, tag], axis=1)


def setup_inputs(seed: int = 0) -> dict:
    key = jax.random.key(seed)
    k1, k2, k3, k4, k5 = jax.random.split(key, 5)
    B, N, A, C = 2, 20000, 5000, 2
    deltas = jax.random.normal(k1, (B, N, 2), dtype=jnp.float32)
    side_deltas = jax.random.normal(k2, (B, N, 1), dtype=jnp.float32)
    class_logits = jax.random.normal(k3, (B, N, C), dtype=jnp.float32)
    base = jax.random.uniform(k4, (A, 4), dtype=jnp.float32)
    x1 = base[:, 0] * 800.0
    y1 = base[:, 1] * 800.0
    w = 16.0 + base[:, 2] * 16.0
    h = 10.0 + base[:, 3] * 100.0
    valid_anchors = jnp.stack([x1, y1, x1 + w, y1 + h], axis=1)
    valid_indices = jnp.sort(jax.random.randint(k5, (A,), 0, N, dtype=jnp.int32))
    return {"deltas": deltas, "side_deltas": side_deltas, "class_logits": class_logits, "valid_anchors": valid_anchors, "valid_indices": valid_indices}


def reference(deltas, side_deltas, class_logits, valid_anchors, valid_indices):
    def per_image(d_b, s_b, c_b):
        d = jnp.take(d_b, valid_indices, axis=0)
        s = jnp.take(s_b, valid_indices, axis=0)
        cl = jnp.take(c_b, valid_indices, axis=0)
        class_scores = jax.nn.softmax(cl, axis=-1)
        fg_scores = jnp.max(class_scores[..., 1:], axis=-1)
        proposals = apply_regress(d, s, valid_anchors, USE_SIDE_REFINE)
        idxs = nms_indices(proposals, fg_scores, NMS_MAX_OUTPUTS, IOU_THRESH, SCORE_THRESH)
        out_boxes = gather_pad(proposals, idxs)
        out_scores = gather_pad(fg_scores[:, None], idxs)
        out_logits = gather_pad(cl, idxs)
        return out_boxes, out_scores, out_logits

    return jax.vmap(per_image)(deltas, side_deltas, class_logits)

if __name__ == "__main__":
    import jax
    _d = setup_inputs()
    print(jax.jit(kernel)(*tuple(_d.values())))

</pallas_src>

<mosaic_0001>
#map = affine_map<(d0, d1) -> (0, 0)>
#map1 = affine_map<(d0, d1) -> (0)>
module attributes {stable_mosaic.version = 14 : i64} {
  func.func @k(%arg0: i32, %arg1: i32, %arg2: memref<40000x8xf32, #tpu.memory_space<hbm>>, %arg3: memref<10240xi32, #tpu.memory_space<hbm>>, %arg4: memref<10240x8xf32, #tpu.memory_space<hbm>>, %arg5: memref<320xi32, #tpu.memory_space<vmem>>, %arg6: memref<64x8xf32, #tpu.memory_space<vmem>>, %arg7: memref<!tpu.dma_semaphore, #tpu.memory_space<semaphore_mem>>) attributes {dimension_semantics = [#tpu.dimension_semantics<core_parallel>, #tpu.dimension_semantics<subcore_parallel>], iteration_bounds = array<i64: 2, 16>, scalar_prefetch = 0 : i64, scratch_operands = 3 : i64, tpu.core_type = #tpu.core_type<sc_vector_subcore>, window_params = [{transform_indices = #map}, {transform_indices = #map1}, {transform_indices = #map}]} {
    %mul3A = arith.constant 2 : i32
    %mul3A_0 = arith.muli %arg1, %mul3A : i32
    %add3A = arith.addi %mul3A_0, %arg0 : i32
    %mul3A_1 = arith.constant 320 : i32
    %mul3A_2 = arith.muli %add3A, %mul3A_1 : i32
    "tpu.region"() ({
      %run_scoped3A = tpu.sem_alloc : memref<!tpu.dma_semaphore, #tpu.memory_space<semaphore_mem>>
      %dma_start3A_61 = tpu.memref_slice %arg3[%mul3A_2] : memref<10240xi32, #tpu.memory_space<hbm>> -> memref<320xi32, #tpu.memory_space<hbm>>
      %dma_start3A_62 = tpu.memref_slice %arg3[%mul3A_2] : memref<10240xi32, #tpu.memory_space<hbm>> -> memref<320xi32, #tpu.memory_space<hbm>>
      tpu.enqueue_dma source(%dma_start3A_62 : memref<320xi32, #tpu.memory_space<hbm>>) target(%arg5 : memref<320xi32, #tpu.memory_space<vmem>>) target_semaphore(%run_scoped3A : memref<!tpu.dma_semaphore, #tpu.memory_space<semaphore_mem>>)
      %dma_wait3A_63 = tpu.memref_slice %arg3[%mul3A_2] : memref<10240xi32, #tpu.memory_space<hbm>> -> memref<320xi32, #tpu.memory_space<hbm>>
      %dma_wait3A_64 = tpu.memref_slice %arg3[%mul3A_2] : memref<10240xi32, #tpu.memory_space<hbm>> -> memref<320xi32, #tpu.memory_space<hbm>>
      tpu.wait_dma2 semaphore(%run_scoped3A : memref<!tpu.dma_semaphore, #tpu.memory_space<semaphore_mem>>) src(%dma_wait3A_64 : memref<320xi32, #tpu.memory_space<hbm>>) dst(%arg5 : memref<320xi32, #tpu.memory_space<vmem>>)
      tpu.yield
    }) : () -> ()
    %dma_start3A = arith.constant 0 : i32
    %dma_start3A_3 = tpu.memref_slice %arg5[%dma_start3A] : memref<320xi32, #tpu.memory_space<vmem>> -> memref<64xi32, #tpu.memory_space<vmem>>
    %dma_start3A_4 = arith.constant 0 : i32
    %dma_start3A_5 = arith.constant 0 : i32
    %dma_start3A_6 = tpu.memref_slice %arg2[%dma_start3A_4, %dma_start3A_5] : memref<40000x8xf32, #tpu.memory_space<hbm>> -> memref<40000x8xf32, #tpu.memory_space<hbm>>
    tpu.enqueue_indirect_dma source(%dma_start3A_6 : memref<40000x8xf32, #tpu.memory_space<hbm>>) target(%arg6 : memref<64x8xf32, #tpu.memory_space<vmem>>) offsets(%dma_start3A_3 : memref<64xi32, #tpu.memory_space<vmem>>) semaphore(%arg7 : memref<!tpu.dma_semaphore, #tpu.memory_space<semaphore_mem>>)
    %dma_wait3A = arith.constant 0 : i32
    %dma_wait3A_7 = tpu.memref_slice %arg5[%dma_wait3A] : memref<320xi32, #tpu.memory_space<vmem>> -> memref<64xi32, #tpu.memory_space<vmem>>
    %dma_wait3A_8 = arith.constant 0 : i32
    %dma_wait3A_9 = arith.constant 0 : i32
    %dma_wait3A_10 = tpu.memref_slice %arg2[%dma_wait3A_8, %dma_wait3A_9] : memref<40000x8xf32, #tpu.memory_space<hbm>> -> memref<40000x8xf32, #tpu.memory_space<hbm>>
    tpu.wait_indirect_dma semaphore(%arg7 : memref<!tpu.dma_semaphore, #tpu.memory_space<semaphore_mem>>) src(%dma_wait3A_10 : memref<40000x8xf32, #tpu.memory_space<hbm>>) dst(%arg6 : memref<64x8xf32, #tpu.memory_space<vmem>>)
    %add3A_11 = arith.constant 0 : i32
    %add3A_12 = arith.addi %mul3A_2, %add3A_11 : i32
    "tpu.region"() ({
      %run_scoped3A = tpu.sem_alloc : memref<!tpu.dma_semaphore, #tpu.memory_space<semaphore_mem>>
      %dma_start3A_61 = arith.constant 0 : i32
      %dma_start3A_62 = tpu.memref_slice %arg4[%add3A_12, %dma_start3A_61] : memref<10240x8xf32, #tpu.memory_space<hbm>> -> memref<64x8xf32, #tpu.memory_space<hbm>>
      %dma_start3A_63 = arith.constant 0 : i32
      %dma_start3A_64 = tpu.memref_slice %arg4[%add3A_12, %dma_start3A_63] : memref<10240x8xf32, #tpu.memory_space<hbm>> -> memref<64x8xf32, #tpu.memory_space<hbm>>
      tpu.enqueue_dma source(%arg6 : memref<64x8xf32, #tpu.memory_space<vmem>>) target(%dma_start3A_64 : memref<64x8xf32, #tpu.memory_space<hbm>>) target_semaphore(%run_scoped3A : memref<!tpu.dma_semaphore, #tpu.memory_space<semaphore_mem>>)
      %dma_wait3A_65 = arith.constant 0 : i32
      %dma_wait3A_66 = tpu.memref_slice %arg4[%add3A_12, %dma_wait3A_65] : memref<10240x8xf32, #tpu.memory_space<hbm>> -> memref<64x8xf32, #tpu.memory_space<hbm>>
      %dma_wait3A_67 = arith.constant 0 : i32
      %dma_wait3A_68 = tpu.memref_slice %arg4[%add3A_12, %dma_wait3A_67] : memref<10240x8xf32, #tpu.memory_space<hbm>> -> memref<64x8xf32, #tpu.memory_space<hbm>>
      tpu.wait_dma2 semaphore(%run_scoped3A : memref<!tpu.dma_semaphore, #tpu.memory_space<semaphore_mem>>) src(%arg6 : memref<64x8xf32, #tpu.memory_space<vmem>>) dst(%dma_wait3A_68 : memref<64x8xf32, #tpu.memory_space<hbm>>)
      tpu.yield
    }) : () -> ()
    %dma_start3A_13 = arith.constant 64 : i32
    %dma_start3A_14 = tpu.memref_slice %arg5[%dma_start3A_13] : memref<320xi32, #tpu.memory_space<vmem>> -> memref<64xi32, #tpu.memory_space<vmem>>
    %dma_start3A_15 = arith.constant 0 : i32
    %dma_start3A_16 = arith.constant 0 : i32
    %dma_start3A_17 = tpu.memref_slice %arg2[%dma_start3A_15, %dma_start3A_16] : memref<40000x8xf32, #tpu.memory_space<hbm>> -> memref<40000x8xf32, #tpu.memory_space<hbm>>
    tpu.enqueue_indirect_dma source(%dma_start3A_17 : memref<40000x8xf32, #tpu.memory_space<hbm>>) target(%arg6 : memref<64x8xf32, #tpu.memory_space<vmem>>) offsets(%dma_start3A_14 : memref<64xi32, #tpu.memory_space<vmem>>) semaphore(%arg7 : memref<!tpu.dma_semaphore, #tpu.memory_space<semaphore_mem>>)
    %dma_wait3A_18 = arith.constant 64 : i32
    %dma_wait3A_19 = tpu.memref_slice %arg5[%dma_wait3A_18] : memref<320xi32, #tpu.memory_space<vmem>> -> memref<64xi32, #tpu.memory_space<vmem>>
    %dma_wait3A_20 = arith.constant 0 : i32
    %dma_wait3A_21 = arith.constant 0 : i32
    %dma_wait3A_22 = tpu.memref_slice %arg2[%dma_wait3A_20, %dma_wait3A_21] : memref<40000x8xf32, #tpu.memory_space<hbm>> -> memref<40000x8xf32, #tpu.memory_space<hbm>>
    tpu.wait_indirect_dma semaphore(%arg7 : memref<!tpu.dma_semaphore, #tpu.memory_space<semaphore_mem>>) src(%dma_wait3A_22 : memref<40000x8xf32, #tpu.memory_space<hbm>>) dst(%arg6 : memref<64x8xf32, #tpu.memory_space<vmem>>)
    %add3A_23 = arith.constant 64 : i32
    %add3A_24 = arith.addi %mul3A_2, %add3A_23 : i32
    "tpu.region"() ({
      %run_scoped3A = tpu.sem_alloc : memref<!tpu.dma_semaphore, #tpu.memory_space<semaphore_mem>>
      %dma_start3A_61 = arith.constant 0 : i32
      %dma_start3A_62 = tpu.memref_slice %arg4[%add3A_24, %dma_start3A_61] : memref<10240x8xf32, #tpu.memory_space<hbm>> -> memref<64x8xf32, #tpu.memory_space<hbm>>
      %dma_start3A_63 = arith.constant 0 : i32
      %dma_start3A_64 = tpu.memref_slice %arg4[%add3A_24, %dma_start3A_63] : memref<10240x8xf32, #tpu.memory_space<hbm>> -> memref<64x8xf32, #tpu.memory_space<hbm>>
      tpu.enqueue_dma source(%arg6 : memref<64x8xf32, #tpu.memory_space<vmem>>) target(%dma_start3A_64 : memref<64x8xf32, #tpu.memory_space<hbm>>) target_semaphore(%run_scoped3A : memref<!tpu.dma_semaphore, #tpu.memory_space<semaphore_mem>>)
      %dma_wait3A_65 = arith.constant 0 : i32
      %dma_wait3A_66 = tpu.memref_slice %arg4[%add3A_24, %dma_wait3A_65] : memref<10240x8xf32, #tpu.memory_space<hbm>> -> memref<64x8xf32, #tpu.memory_space<hbm>>
      %dma_wait3A_67 = arith.constant 0 : i32
      %dma_wait3A_68 = tpu.memref_slice %arg4[%add3A_24, %dma_wait3A_67] : memref<10240x8xf32, #tpu.memory_space<hbm>> -> memref<64x8xf32, #tpu.memory_space<hbm>>
      tpu.wait_dma2 semaphore(%run_scoped3A : memref<!tpu.dma_semaphore, #tpu.memory_space<semaphore_mem>>) src(%arg6 : memref<64x8xf32, #tpu.memory_space<vmem>>) dst(%dma_wait3A_68 : memref<64x8xf32, #tpu.memory_space<hbm>>)
      tpu.yield
    }) : () -> ()
    %dma_start3A_25 = arith.constant 128 : i32
    %dma_start3A_26 = tpu.memref_slice %arg5[%dma_start3A_25] : memref<320xi32, #tpu.memory_space<vmem>> -> memref<64xi32, #tpu.memory_space<vmem>>
    %dma_start3A_27 = arith.constant 0 : i32
    %dma_start3A_28 = arith.constant 0 : i32
    %dma_start3A_29 = tpu.memref_slice %arg2[%dma_start3A_27, %dma_start3A_28] : memref<40000x8xf32, #tpu.memory_space<hbm>> -> memref<40000x8xf32, #tpu.memory_space<hbm>>
    tpu.enqueue_indirect_dma source(%dma_start3A_29 : memref<40000x8xf32, #tpu.memory_space<hbm>>) target(%arg6 : memref<64x8xf32, #tpu.memory_space<vmem>>) offsets(%dma_start3A_26 : memref<64xi32, #tpu.memory_space<vmem>>) semaphore(%arg7 : memref<!tpu.dma_semaphore, #tpu.memory_space<semaphore_mem>>)
    %dma_wait3A_30 = arith.constant 128 : i32
    %dma_wait3A_31 = tpu.memref_slice %arg5[%dma_wait3A_30] : memref<320xi32, #tpu.memory_space<vmem>> -> memref<64xi32, #tpu.memory_space<vmem>>
    %dma_wait3A_32 = arith.constant 0 : i32
    %dma_wait3A_33 = arith.constant 0 : i32
    %dma_wait3A_34 = tpu.memref_slice %arg2[%dma_wait3A_32, %dma_wait3A_33] : memref<40000x8xf32, #tpu.memory_space<hbm>> -> memref<40000x8xf32, #tpu.memory_space<hbm>>
    tpu.wait_indirect_dma semaphore(%arg7 : memref<!tpu.dma_semaphore, #tpu.memory_space<semaphore_mem>>) src(%dma_wait3A_34 : memref<40000x8xf32, #tpu.memory_space<hbm>>) dst(%arg6 : memref<64x8xf32, #tpu.memory_space<vmem>>)
    %add3A_35 = arith.constant 128 : i32
    %add3A_36 = arith.addi %mul3A_2, %add3A_35 : i32
    "tpu.region"() ({
      %run_scoped3A = tpu.sem_alloc : memref<!tpu.dma_semaphore, #tpu.memory_space<semaphore_mem>>
      %dma_start3A_61 = arith.constant 0 : i32
      %dma_start3A_62 = tpu.memref_slice %arg4[%add3A_36, %dma_start3A_61] : memref<10240x8xf32, #tpu.memory_space<hbm>> -> memref<64x8xf32, #tpu.memory_space<hbm>>
      %dma_start3A_63 = arith.constant 0 : i32
      %dma_start3A_64 = tpu.memref_slice %arg4[%add3A_36, %dma_start3A_63] : memref<10240x8xf32, #tpu.memory_space<hbm>> -> memref<64x8xf32, #tpu.memory_space<hbm>>
      tpu.enqueue_dma source(%arg6 : memref<64x8xf32, #tpu.memory_space<vmem>>) target(%dma_start3A_64 : memref<64x8xf32, #tpu.memory_space<hbm>>) target_semaphore(%run_scoped3A : memref<!tpu.dma_semaphore, #tpu.memory_space<semaphore_mem>>)
      %dma_wait3A_65 = arith.constant 0 : i32
      %dma_wait3A_66 = tpu.memref_slice %arg4[%add3A_36, %dma_wait3A_65] : memref<10240x8xf32, #tpu.memory_space<hbm>> -> memref<64x8xf32, #tpu.memory_space<hbm>>
      %dma_wait3A_67 = arith.constant 0 : i32
      %dma_wait3A_68 = tpu.memref_slice %arg4[%add3A_36, %dma_wait3A_67] : memref<10240x8xf32, #tpu.memory_space<hbm>> -> memref<64x8xf32, #tpu.memory_space<hbm>>
      tpu.wait_dma2 semaphore(%run_scoped3A : memref<!tpu.dma_semaphore, #tpu.memory_space<semaphore_mem>>) src(%arg6 : memref<64x8xf32, #tpu.memory_space<vmem>>) dst(%dma_wait3A_68 : memref<64x8xf32, #tpu.memory_space<hbm>>)
      tpu.yield
    }) : () -> ()
    %dma_start3A_37 = arith.constant 192 : i32
    %dma_start3A_38 = tpu.memref_slice %arg5[%dma_start3A_37] : memref<320xi32, #tpu.memory_space<vmem>> -> memref<64xi32, #tpu.memory_space<vmem>>
    %dma_start3A_39 = arith.constant 0 : i32
    %dma_start3A_40 = arith.constant 0 : i32
    %dma_start3A_41 = tpu.memref_slice %arg2[%dma_start3A_39, %dma_start3A_40] : memref<40000x8xf32, #tpu.memory_space<hbm>> -> memref<40000x8xf32, #tpu.memory_space<hbm>>
    tpu.enqueue_indirect_dma source(%dma_start3A_41 : memref<40000x8xf32, #tpu.memory_space<hbm>>) target(%arg6 : memref<64x8xf32, #tpu.memory_space<vmem>>) offsets(%dma_start3A_38 : memref<64xi32, #tpu.memory_space<vmem>>) semaphore(%arg7 : memref<!tpu.dma_semaphore, #tpu.memory_space<semaphore_mem>>)
    %dma_wait3A_42 = arith.constant 192 : i32
    %dma_wait3A_43 = tpu.memref_slice %arg5[%dma_wait3A_42] : memref<320xi32, #tpu.memory_space<vmem>> -> memref<64xi32, #tpu.memory_space<vmem>>
    %dma_wait3A_44 = arith.constant 0 : i32
    %dma_wait3A_45 = arith.constant 0 : i32
    %dma_wait3A_46 = tpu.memref_slice %arg2[%dma_wait3A_44, %dma_wait3A_45] : memref<40000x8xf32, #tpu.memory_space<hbm>> -> memref<40000x8xf32, #tpu.memory_space<hbm>>
    tpu.wait_indirect_dma semaphore(%arg7 : memref<!tpu.dma_semaphore, #tpu.memory_space<semaphore_mem>>) src(%dma_wait3A_46 : memref<40000x8xf32, #tpu.memory_space<hbm>>) dst(%arg6 : memref<64x8xf32, #tpu.memory_space<vmem>>)
    %add3A_47 = arith.constant 192 : i32
    %add3A_48 = arith.addi %mul3A_2, %add3A_47 : i32
    "tpu.region"() ({
      %run_scoped3A = tpu.sem_alloc : memref<!tpu.dma_semaphore, #tpu.memory_space<semaphore_mem>>
      %dma_start3A_61 = arith.constant 0 : i32
      %dma_start3A_62 = tpu.memref_slice %arg4[%add3A_48, %dma_start3A_61] : memref<10240x8xf32, #tpu.memory_space<hbm>> -> memref<64x8xf32, #tpu.memory_space<hbm>>
      %dma_start3A_63 = arith.constant 0 : i32
      %dma_start3A_64 = tpu.memref_slice %arg4[%add3A_48, %dma_start3A_63] : memref<10240x8xf32, #tpu.memory_space<hbm>> -> memref<64x8xf32, #tpu.memory_space<hbm>>
      tpu.enqueue_dma source(%arg6 : memref<64x8xf32, #tpu.memory_space<vmem>>) target(%dma_start3A_64 : memref<64x8xf32, #tpu.memory_space<hbm>>) target_semaphore(%run_scoped3A : memref<!tpu.dma_semaphore, #tpu.memory_space<semaphore_mem>>)
      %dma_wait3A_65 = arith.constant 0 : i32
      %dma_wait3A_66 = tpu.memref_slice %arg4[%add3A_48, %dma_wait3A_65] : memref<10240x8xf32, #tpu.memory_space<hbm>> -> memref<64x8xf32, #tpu.memory_space<hbm>>
      %dma_wait3A_67 = arith.constant 0 : i32
      %dma_wait3A_68 = tpu.memref_slice %arg4[%add3A_48, %dma_wait3A_67] : memref<10240x8xf32, #tpu.memory_space<hbm>> -> memref<64x8xf32, #tpu.memory_space<hbm>>
      tpu.wait_dma2 semaphore(%run_scoped3A : memref<!tpu.dma_semaphore, #tpu.memory_space<semaphore_mem>>) src(%arg6 : memref<64x8xf32, #tpu.memory_space<vmem>>) dst(%dma_wait3A_68 : memref<64x8xf32, #tpu.memory_space<hbm>>)
      tpu.yield
    }) : () -> ()
    %dma_start3A_49 = arith.constant 256 : i32
    %dma_start3A_50 = tpu.memref_slice %arg5[%dma_start3A_49] : memref<320xi32, #tpu.memory_space<vmem>> -> memref<64xi32, #tpu.memory_space<vmem>>
    %dma_start3A_51 = arith.constant 0 : i32
    %dma_start3A_52 = arith.constant 0 : i32
    %dma_start3A_53 = tpu.memref_slice %arg2[%dma_start3A_51, %dma_start3A_52] : memref<40000x8xf32, #tpu.memory_space<hbm>> -> memref<40000x8xf32, #tpu.memory_space<hbm>>
    tpu.enqueue_indirect_dma source(%dma_start3A_53 : memref<40000x8xf32, #tpu.memory_space<hbm>>) target(%arg6 : memref<64x8xf32, #tpu.memory_space<vmem>>) offsets(%dma_start3A_50 : memref<64xi32, #tpu.memory_space<vmem>>) semaphore(%arg7 : memref<!tpu.dma_semaphore, #tpu.memory_space<semaphore_mem>>)
    %dma_wait3A_54 = arith.constant 256 : i32
    %dma_wait3A_55 = tpu.memref_slice %arg5[%dma_wait3A_54] : memref<320xi32, #tpu.memory_space<vmem>> -> memref<64xi32, #tpu.memory_space<vmem>>
    %dma_wait3A_56 = arith.constant 0 : i32
    %dma_wait3A_57 = arith.constant 0 : i32
    %dma_wait3A_58 = tpu.memref_slice %arg2[%dma_wait3A_56, %dma_wait3A_57] : memref<40000x8xf32, #tpu.memory_space<hbm>> -> memref<40000x8xf32, #tpu.memory_space<hbm>>
    tpu.wait_indirect_dma semaphore(%arg7 : memref<!tpu.dma_semaphore, #tpu.memory_space<semaphore_mem>>) src(%dma_wait3A_58 : memref<40000x8xf32, #tpu.memory_space<hbm>>) dst(%arg6 : memref<64x8xf32, #tpu.memory_space<vmem>>)
    %add3A_59 = arith.constant 256 : i32
    %add3A_60 = arith.addi %mul3A_2, %add3A_59 : i32
    "tpu.region"() ({
      %run_scoped3A = tpu.sem_alloc : memref<!tpu.dma_semaphore, #tpu.memory_space<semaphore_mem>>
      %dma_start3A_61 = arith.constant 0 : i32
      %dma_start3A_62 = tpu.memref_slice %arg4[%add3A_60, %dma_start3A_61] : memref<10240x8xf32, #tpu.memory_space<hbm>> -> memref<64x8xf32, #tpu.memory_space<hbm>>
      %dma_start3A_63 = arith.constant 0 : i32
      %dma_start3A_64 = tpu.memref_slice %arg4[%add3A_60, %dma_start3A_63] : memref<10240x8xf32, #tpu.memory_space<hbm>> -> memref<64x8xf32, #tpu.memory_space<hbm>>
      tpu.enqueue_dma source(%arg6 : memref<64x8xf32, #tpu.memory_space<vmem>>) target(%dma_start3A_64 : memref<64x8xf32, #tpu.memory_space<hbm>>) target_semaphore(%run_scoped3A : memref<!tpu.dma_semaphore, #tpu.memory_space<semaphore_mem>>)
      %dma_wait3A_65 = arith.constant 0 : i32
      %dma_wait3A_66 = tpu.memref_slice %arg4[%add3A_60, %dma_wait3A_65] : memref<10240x8xf32, #tpu.memory_space<hbm>> -> memref<64x8xf32, #tpu.memory_space<hbm>>
      %dma_wait3A_67 = arith.constant 0 : i32
      %dma_wait3A_68 = tpu.memref_slice %arg4[%add3A_60, %dma_wait3A_67] : memref<10240x8xf32, #tpu.memory_space<hbm>> -> memref<64x8xf32, #tpu.memory_space<hbm>>
      tpu.wait_dma2 semaphore(%run_scoped3A : memref<!tpu.dma_semaphore, #tpu.memory_space<semaphore_mem>>) src(%arg6 : memref<64x8xf32, #tpu.memory_space<vmem>>) dst(%dma_wait3A_68 : memref<64x8xf32, #tpu.memory_space<hbm>>)
      tpu.yield
    }) : () -> ()
    return
  }
}

module attributes {stable_mosaic.version = 14 : i64} {
  func.func @_tc_nms_body(%arg0: memref<2x4x8x640xf32, #tpu.memory_space<vmem>>, %arg1: memref<4x8x640xf32, #tpu.memory_space<vmem>>, %arg2: memref<2x2008x8xf32, #tpu.memory_space<vmem>>, %arg3: memref<8x640xf32, #tpu.memory_space<vmem>>, %arg4: memref<3x8x640xf32, #tpu.memory_space<vmem>>, %arg5: memref<8x640xf32, #tpu.memory_space<vmem>>, %arg6: memref<3x8x640xf32, #tpu.memory_space<vmem>>) attributes {dimension_semantics = [], scalar_prefetch = 0 : i64, scratch_operands = 4 : i64, tpu.core_type = #tpu.core_type<tc>} {
    %broadcast_in_dim3A = arith.constant 0.000000e+00 : f32
    %broadcast_in_dim3A_0 = vector.broadcast %broadcast_in_dim3A : f32 to vector<2x2008x8xf32>
    %swap3A = arith.constant 0 : index
    %swap3A_1 = arith.constant 0 : index
    %swap3A_2 = arith.constant 0 : index
    %swap3A_3 = vector.load %arg2[%swap3A, %swap3A_1, %swap3A_2] : memref<2x2008x8xf32, #tpu.memory_space<vmem>>, vector<2x2008x8xf32>
    tpu.vector_store %arg2[%swap3A, %swap3A_1, %swap3A_2], %broadcast_in_dim3A_0 {strides = array<i32>} : memref<2x2008x8xf32, #tpu.memory_space<vmem>>, vector<2x2008x8xf32>,
    %get3A = arith.constant 0 : index
    %get3A_4 = arith.constant 0 : index
    %get3A_5 = arith.constant 0 : index
    %get3A_6 = vector.load %arg1[%get3A, %get3A_4, %get3A_5] : memref<4x8x640xf32, #tpu.memory_space<vmem>>, vector<1x8x640xf32>
    %get3A_7 = vector.shape_cast %get3A_6 : vector<1x8x640xf32> to vector<8x640xf32>
    %get3A_8 = arith.constant 1 : index
    %get3A_9 = arith.constant 0 : index
    %get3A_10 = arith.constant 0 : index
    %get3A_11 = vector.load %arg1[%get3A_8, %get3A_9, %get3A_10] : memref<4x8x640xf32, #tpu.memory_space<vmem>>, vector<1x8x640xf32>
    %get3A_12 = vector.shape_cast %get3A_11 : vector<1x8x640xf32> to vector<8x640xf32>
    %get3A_13 = arith.constant 2 : index
    %get3A_14 = arith.constant 0 : index
    %get3A_15 = arith.constant 0 : index
    %get3A_16 = vector.load %arg1[%get3A_13, %get3A_14, %get3A_15] : memref<4x8x640xf32, #tpu.memory_space<vmem>>, vector<1x8x640xf32>
    %get3A_17 = vector.shape_cast %get3A_16 : vector<1x8x640xf32> to vector<8x640xf32>
    %get3A_18 = arith.constant 3 : index
    %get3A_19 = arith.constant 0 : index
    %get3A_20 = arith.constant 0 : index
    %get3A_21 = vector.load %arg1[%get3A_18, %get3A_19, %get3A_20] : memref<4x8x640xf32, #tpu.memory_space<vmem>>, vector<1x8x640xf32>
    %get3A_22 = vector.shape_cast %get3A_21 : vector<1x8x640xf32> to vector<8x640xf32>
    %sub3A = arith.subf %get3A_22, %get3A_12 : vector<8x640xf32>
    %add3A = arith.addf %get3A_12, %get3A_22 : vector<8x640xf32>
    %mul3A = arith.constant 5.000000e-01 : f32
    %mul3A_23 = vector.broadcast %mul3A : f32 to vector<8x640xf32>
    %mul3A_24 = arith.mulf %add3A, %mul3A_23 : vector<8x640xf32>
    %iota3A = tpu.iota {dimensions = array<i32: 0>} : vector<8x640xi32>
    %mul3A_25 = arith.constant 640 : i32
    %mul3A_26 = vector.broadcast %mul3A_25 : i32 to vector<8x640xi32>
    %mul3A_27 = arith.muli %iota3A, %mul3A_26 : vector<8x640xi32>
    %iota3A_28 = tpu.iota {dimensions = array<i32: 1>} : vector<8x640xi32>
    %add3A_29 = arith.addi %mul3A_27, %iota3A_28 : vector<8x640xi32>
    %lt3A = arith.constant 5000 : i32
    %lt3A_30 = vector.broadcast %lt3A : i32 to vector<8x640xi32>
    %lt3A_31 = arith.cmpi slt, %add3A_29, %lt3A_30 : vector<8x640xi32>
    %broadcast_in_dim3A_32 = arith.constant 1.000000e+00 : f32
    %broadcast_in_dim3A_33 = vector.broadcast %broadcast_in_dim3A_32 : f32 to vector<1x1xf32>
    %get3A_34 = arith.constant 0 : index
    %get3A_35 = arith.constant 0 : index
    %get3A_36 = arith.constant 0 : index
    %get3A_37 = arith.constant 0 : index
    %get3A_38 = vector.load %arg0[%get3A_34, %get3A_35, %get3A_36, %get3A_37] : memref<2x4x8x640xf32, #tpu.memory_space<vmem>>, vector<1x1x8x640xf32>
    %get3A_39 = vector.shape_cast %get3A_38 : vector<1x1x8x640xf32> to vector<8x640xf32>
    %get3A_40 = arith.constant 0 : index
    %get3A_41 = arith.constant 1 : index
    %get3A_42 = arith.constant 0 : index
    %get3A_43 = arith.constant 0 : index
    %get3A_44 = vector.load %arg0[%get3A_40, %get3A_41, %get3A_42, %get3A_43] : memref<2x4x8x640xf32, #tpu.memory_space<vmem>>, vector<1x1x8x640xf32>
    %get3A_45 = vector.shape_cast %get3A_44 : vector<1x1x8x640xf32> to vector<8x640xf32>
    %get3A_46 = arith.constant 0 : index
    %get3A_47 = arith.constant 2 : index
    %get3A_48 = arith.constant 0 : index
    %get3A_49 = arith.constant 0 : index
    %get3A_50 = vector.load %arg0[%get3A_46, %get3A_47, %get3A_48, %get3A_49] : memref<2x4x8x640xf32, #tpu.memory_space<vmem>>, vector<1x1x8x640xf32>
    %get3A_51 = vector.shape_cast %get3A_50 : vector<1x1x8x640xf32> to vector<8x640xf32>
    %get3A_52 = arith.constant 0 : index
    %get3A_53 = arith.constant 3 : index
    %get3A_54 = arith.constant 0 : index
    %get3A_55 = arith.constant 0 : index
    %get3A_56 = vector.load %arg0[%get3A_52, %get3A_53, %get3A_54, %get3A_55] : memref<2x4x8x640xf32, #tpu.memory_space<vmem>>, vector<1x1x8x640xf32>
    %get3A_57 = vector.shape_cast %get3A_56 : vector<1x1x8x640xf32> to vector<8x640xf32>
    %max3A = arith.maximumf %get3A_51, %get3A_57 : vector<8x640xf32>
    %sub3A_58 = arith.subf %get3A_51, %max3A : vector<8x640xf32>
    %exp3A = math.exp %sub3A_58 : vector<8x640xf32>
    %sub3A_59 = arith.subf %get3A_57, %max3A : vector<8x640xf32>
    %exp3A_60 = math.exp %sub3A_59 : vector<8x640xf32>
    %add3A_61 = arith.addf %exp3A, %exp3A_60 : vector<8x640xf32>
    %div3A = arith.divf %exp3A_60, %add3A_61 : vector<8x640xf32>
    %mul3A_62 = arith.constant 1.000000e-01 : f32
    %mul3A_63 = vector.broadcast %mul3A_62 : f32 to vector<8x640xf32>
    %mul3A_64 = arith.mulf %get3A_39, %mul3A_63 : vector<8x640xf32>
    %mul3A_65 = arith.mulf %mul3A_64, %sub3A : vector<8x640xf32>
    %add3A_66 = arith.addf %mul3A_24, %mul3A_65 : vector<8x640xf32>
    %mul3A_67 = arith.constant 2.000000e-01 : f32
    %mul3A_68 = vector.broadcast %mul3A_67 : f32 to vector<8x640xf32>
    %mul3A_69 = arith.mulf %get3A_45, %mul3A_68 : vector<8x640xf32>
    %exp3A_70 = math.exp %mul3A_69 : vector<8x640xf32>
    %mul3A_71 = arith.mulf %sub3A, %exp3A_70 : vector<8x640xf32>
    %mul3A_72 = arith.constant 5.000000e-01 : f32
    %mul3A_73 = vector.broadcast %mul3A_72 : f32 to vector<8x640xf32>
    %mul3A_74 = arith.mulf %mul3A_71, %mul3A_73 : vector<8x640xf32>
    %sub3A_75 = arith.subf %add3A_66, %mul3A_74 : vector<8x640xf32>
    %mul3A_76 = arith.constant 5.000000e-01 : f32
    %mul3A_77 = vector.broadcast %mul3A_76 : f32 to vector<8x640xf32>
    %mul3A_78 = arith.mulf %mul3A_71, %mul3A_77 : vector<8x640xf32>
    %add3A_79 = arith.addf %add3A_66, %mul3A_78 : vector<8x640xf32>
    %sub3A_80 = arith.subf %get3A_17, %get3A_7 : vector<8x640xf32>
    %max3A_81 = arith.constant 0.000000e+00 : f32
    %max3A_82 = vector.broadcast %max3A_81 : f32 to vector<8x640xf32>
    %max3A_83 = arith.maximumf %sub3A_80, %max3A_82 : vector<8x640xf32>
    %sub3A_84 = arith.subf %add3A_79, %sub3A_75 : vector<8x640xf32>
    %max3A_85 = arith.constant 0.000000e+00 : f32
    %max3A_86 = vector.broadcast %max3A_85 : f32 to vector<8x640xf32>
    %max3A_87 = arith.maximumf %sub3A_84, %max3A_86 : vector<8x640xf32>
    %mul3A_88 = arith.mulf %max3A_83, %max3A_87 : vector<8x640xf32>
    %ge3A = arith.constant 0.699999988 : f32
    %ge3A_89 = vector.broadcast %ge3A : f32 to vector<8x640xf32>
    %ge3A_90 = arith.cmpf oge, %div3A, %ge3A_89 : vector<8x640xf32>
    %and3A = arith.andi %lt3A_31, %ge3A_90 : vector<8x640xi1>
    %jit3A = arith.constant 0xFF800000 : f32
    %broadcast_in_dim3A_91 = vector.broadcast %jit3A : f32 to vector<8x640xf32>
    %select_n3A = arith.select %and3A, %div3A, %broadcast_in_dim3A_91 : vector<8x640xi1>, vector<8x640xf32>
    %swap3A_92 = arith.constant 0 : index
    %swap3A_93 = arith.constant 0 : index
    %swap3A_94 = vector.load %arg3[%swap3A_92, %swap3A_93] : memref<8x640xf32, #tpu.memory_space<vmem>>, vector<8x640xf32>
    tpu.vector_store %arg3[%swap3A_92, %swap3A_93], %select_n3A {strides = array<i32>} : memref<8x640xf32, #tpu.memory_space<vmem>>, vector<8x640xf32>,
    %swap3A_95 = arith.constant 0 : index
    %swap3A_96 = arith.constant 0 : index
    %swap3A_97 = arith.constant 0 : index
    %swap3A_98 = vector.load %arg4[%swap3A_95, %swap3A_96, %swap3A_97] : memref<3x8x640xf32, #tpu.memory_space<vmem>>, vector<1x8x640xf32>
    %swap3A_99 = vector.shape_cast %swap3A_98 : vector<1x8x640xf32> to vector<8x640xf32>
    %swap3A_100 = vector.shape_cast %sub3A_75 : vector<8x640xf32> to vector<1x8x640xf32>
    tpu.vector_store %arg4[%swap3A_95, %swap3A_96, %swap3A_97], %swap3A_100 {strides = array<i32>} : memref<3x8x640xf32, #tpu.memory_space<vmem>>, vector<1x8x640xf32>,
    %swap3A_101 = arith.constant 1 : index
    %swap3A_102 = arith.constant 0 : index
    %swap3A_103 = arith.constant 0 : index
    %swap3A_104 = vector.load %arg4[%swap3A_101, %swap3A_102, %swap3A_103] : memref<3x8x640xf32, #tpu.memory_space<vmem>>, vector<1x8x640xf32>
    %swap3A_105 = vector.shape_cast %swap3A_104 : vector<1x8x640xf32> to vector<8x640xf32>
    %swap3A_106 = vector.shape_cast %add3A_79 : vector<8x640xf32> to vector<1x8x640xf32>
    tpu.vector_store %arg4[%swap3A_101, %swap3A_102, %swap3A_103], %swap3A_106 {strides = array<i32>} : memref<3x8x640xf32, #tpu.memory_space<vmem>>, vector<1x8x640xf32>,
    %swap3A_107 = arith.constant 2 : index
    %swap3A_108 = arith.constant 0 : index
    %swap3A_109 = arith.constant 0 : index
    %swap3A_110 = vector.load %arg4[%swap3A_107, %swap3A_108, %swap3A_109] : memref<3x8x640xf32, #tpu.memory_space<vmem>>, vector<1x8x640xf32>
    %swap3A_111 = vector.shape_cast %swap3A_110 : vector<1x8x640xf32> to vector<8x640xf32>
    %swap3A_112 = vector.shape_cast %mul3A_88 : vector<8x640xf32> to vector<1x8x640xf32>
    tpu.vector_store %arg4[%swap3A_107, %swap3A_108, %swap3A_109], %swap3A_112 {strides = array<i32>} : memref<3x8x640xf32, #tpu.memory_space<vmem>>, vector<1x8x640xf32>,
    %reduce_max3A = arith.constant dense<0xFF800000> : vector<8xf32>
    %reduce_max3A_113 = vector.multi_reduction <maximumf>, %select_n3A, %reduce_max3A [1] : vector<8x640xf32> to vector<8xf32>
    %broadcast_in_dim3A_114 = vector.shape_cast %reduce_max3A_113 : vector<8xf32> to vector<8x1xf32>
    %reduce_max3A_115 = arith.constant dense<0xFF800000> : vector<1xf32>
    %reduce_max3A_116 = vector.multi_reduction <maximumf>, %broadcast_in_dim3A_114, %reduce_max3A_115 [0] : vector<8x1xf32> to vector<1xf32>
    %broadcast_in_dim3A_117 = vector.shape_cast %reduce_max3A_116 : vector<1xf32> to vector<1x1xf32>
    %squeeze3A = vector.extract %broadcast_in_dim3A_117[0, 0] : f32 from vector<1x1xf32>
    %get3A_118 = arith.constant 1 : index
    %get3A_119 = arith.constant 0 : index
    %get3A_120 = arith.constant 0 : index
    %get3A_121 = arith.constant 0 : index
    %get3A_122 = vector.load %arg0[%get3A_118, %get3A_119, %get3A_120, %get3A_121] : memref<2x4x8x640xf32, #tpu.memory_space<vmem>>, vector<1x1x8x640xf32>
    %get3A_123 = vector.shape_cast %get3A_122 : vector<1x1x8x640xf32> to vector<8x640xf32>
    %get3A_124 = arith.constant 1 : index
    %get3A_125 = arith.constant 1 : index
    %get3A_126 = arith.constant 0 : index
    %get3A_127 = arith.constant 0 : index
    %get3A_128 = vector.load %arg0[%get3A_124, %get3A_125, %get3A_126, %get3A_127] : memref<2x4x8x640xf32, #tpu.memory_space<vmem>>, vector<1x1x8x640xf32>
    %get3A_129 = vector.shape_cast %get3A_128 : vector<1x1x8x640xf32> to vector<8x640xf32>
    %get3A_130 = arith.constant 1 : index
    %get3A_131 = arith.constant 2 : index
    %get3A_132 = arith.constant 0 : index
    %get3A_133 = arith.constant 0 : index
    %get3A_134 = vector.load %arg0[%get3A_130, %get3A_131, %get3A_132, %get3A_133] : memref<2x4x8x640xf32, #tpu.memory_space<vmem>>, vector<1x1x8x640xf32>
    %get3A_135 = vector.shape_cast %get3A_134 : vector<1x1x8x640xf32> to vector<8x640xf32>
    %get3A_136 = arith.constant 1 : index
    %get3A_137 = arith.constant 3 : index
    %get3A_138 = arith.constant 0 : index
    %get3A_139 = arith.constant 0 : index
    %get3A_140 = vector.load %arg0[%get3A_136, %get3A_137, %get3A_138, %get3A_139] : memref<2x4x8x640xf32, #tpu.memory_space<vmem>>, vector<1x1x8x640xf32>
    %get3A_141 = vector.shape_cast %get3A_140 : vector<1x1x8x640xf32> to vector<8x640xf32>
    %max3A_142 = arith.maximumf %get3A_135, %get3A_141 : vector<8x640xf32>
    %sub3A_143 = arith.subf %get3A_135, %max3A_142 : vector<8x640xf32>
    %exp3A_144 = math.exp %sub3A_143 : vector<8x640xf32>
    %sub3A_145 = arith.subf %get3A_141, %max3A_142 : vector<8x640xf32>
    %exp3A_146 = math.exp %sub3A_145 : vector<8x640xf32>
    %add3A_147 = arith.addf %exp3A_144, %exp3A_146 : vector<8x640xf32>
    %div3A_148 = arith.divf %exp3A_146, %add3A_147 : vector<8x640xf32>
    %mul3A_149 = arith.constant 1.000000e-01 : f32
    %mul3A_150 = vector.broadcast %mul3A_149 : f32 to vector<8x640xf32>
    %mul3A_151 = arith.mulf %get3A_123, %mul3A_150 : vector<8x640xf32>
    %mul3A_152 = arith.mulf %mul3A_151, %sub3A : vector<8x640xf32>
    %add3A_153 = arith.addf %mul3A_24, %mul3A_152 : vector<8x640xf32>
    %mul3A_154 = arith.constant 2.000000e-01 : f32
    %mul3A_155 = vector.broadcast %mul3A_154 : f32 to vector<8x640xf32>
    %mul3A_156 = arith.mulf %get3A_129, %mul3A_155 : vector<8x640xf32>
    %exp3A_157 = math.exp %mul3A_156 : vector<8x640xf32>
    %mul3A_158 = arith.mulf %sub3A, %exp3A_157 : vector<8x640xf32>
    %mul3A_159 = arith.constant 5.000000e-01 : f32
    %mul3A_160 = vector.broadcast %mul3A_159 : f32 to vector<8x640xf32>
    %mul3A_161 = arith.mulf %mul3A_158, %mul3A_160 : vector<8x640xf32>
    %sub3A_162 = arith.subf %add3A_153, %mul3A_161 : vector<8x640xf32>
    %mul3A_163 = arith.constant 5.000000e-01 : f32
    %mul3A_164 = vector.broadcast %mul3A_163 : f32 to vector<8x640xf32>
    %mul3A_165 = arith.mulf %mul3A_158, %mul3A_164 : vector<8x640xf32>
    %add3A_166 = arith.addf %add3A_153, %mul3A_165 : vector<8x640xf32>
    %sub3A_167 = arith.subf %get3A_17, %get3A_7 : vector<8x640xf32>
    %max3A_168 = arith.constant 0.000000e+00 : f32
    %max3A_169 = vector.broadcast %max3A_168 : f32 to vector<8x640xf32>
    %max3A_170 = arith.maximumf %sub3A_167, %max3A_169 : vector<8x640xf32>
    %sub3A_171 = arith.subf %add3A_166, %sub3A_162 : vector<8x640xf32>
    %max3A_172 = arith.constant 0.000000e+00 : f32
    %max3A_173 = vector.broadcast %max3A_172 : f32 to vector<8x640xf32>
    %max3A_174 = arith.maximumf %sub3A_171, %max3A_173 : vector<8x640xf32>
    %mul3A_175 = arith.mulf %max3A_170, %max3A_174 : vector<8x640xf32>
    %ge3A_176 = arith.constant 0.699999988 : f32
    %ge3A_177 = vector.broadcast %ge3A_176 : f32 to vector<8x640xf32>
    %ge3A_178 = arith.cmpf oge, %div3A_148, %ge3A_177 : vector<8x640xf32>
    %and3A_179 = arith.andi %lt3A_31, %ge3A_178 : vector<8x640xi1>
    %jit3A_180 = arith.constant 0xFF800000 : f32
    %broadcast_in_dim3A_181 = vector.broadcast %jit3A_180 : f32 to vector<8x640xf32>
    %select_n3A_182 = arith.select %and3A_179, %div3A_148, %broadcast_in_dim3A_181 : vector<8x640xi1>, vector<8x640xf32>
    %swap3A_183 = arith.constant 0 : index
    %swap3A_184 = arith.constant 0 : index
    %swap3A_185 = vector.load %arg5[%swap3A_183, %swap3A_184] : memref<8x640xf32, #tpu.memory_space<vmem>>, vector<8x640xf32>
    tpu.vector_store %arg5[%swap3A_183, %swap3A_184], %select_n3A_182 {strides = array<i32>} : memref<8x640xf32, #tpu.memory_space<vmem>>, vector<8x640xf32>,
    %swap3A_186 = arith.constant 0 : index
    %swap3A_187 = arith.constant 0 : index
    %swap3A_188 = arith.constant 0 : index
    %swap3A_189 = vector.load %arg6[%swap3A_186, %swap3A_187, %swap3A_188] : memref<3x8x640xf32, #tpu.memory_space<vmem>>, vector<1x8x640xf32>
    %swap3A_190 = vector.shape_cast %swap3A_189 : vector<1x8x640xf32> to vector<8x640xf32>
    %swap3A_191 = vector.shape_cast %sub3A_162 : vector<8x640xf32> to vector<1x8x640xf32>
    tpu.vector_store %arg6[%swap3A_186, %swap3A_187, %swap3A_188], %swap3A_191 {strides = array<i32>} : memref<3x8x640xf32, #tpu.memory_space<vmem>>, vector<1x8x640xf32>,
    %swap3A_192 = arith.constant 1 : index
    %swap3A_193 = arith.constant 0 : index
    %swap3A_194 = arith.constant 0 : index
    %swap3A_195 = vector.load %arg6[%swap3A_192, %swap3A_193, %swap3A_194] : memref<3x8x640xf32, #tpu.memory_space<vmem>>, vector<1x8x640xf32>
    %swap3A_196 = vector.shape_cast %swap3A_195 : vector<1x8x640xf32> to vector<8x640xf32>
    %swap3A_197 = vector.shape_cast %add3A_166 : vector<8x640xf32> to vector<1x8x640xf32>
    tpu.vector_store %arg6[%swap3A_192, %swap3A_193, %swap3A_194], %swap3A_197 {strides = array<i32>} : memref<3x8x640xf32, #tpu.memory_space<vmem>>, vector<1x8x640xf32>,
    %swap3A_198 = arith.constant 2 : index
    %swap3A_199 = arith.constant 0 : index
    %swap3A_200 = arith.constant 0 : index
    %swap3A_201 = vector.load %arg6[%swap3A_198, %swap3A_199, %swap3A_200] : memref<3x8x640xf32, #tpu.memory_space<vmem>>, vector<1x8x640xf32>
    %swap3A_202 = vector.shape_cast %swap3A_201 : vector<1x8x640xf32> to vector<8x640xf32>
    %swap3A_203 = vector.shape_cast %mul3A_175 : vector<8x640xf32> to vector<1x8x640xf32>
    tpu.vector_store %arg6[%swap3A_198, %swap3A_199, %swap3A_200], %swap3A_203 {strides = array<i32>} : memref<3x8x640xf32, #tpu.memory_space<vmem>>, vector<1x8x640xf32>,
    %reduce_max3A_204 = arith.constant dense<0xFF800000> : vector<8xf32>
    %reduce_max3A_205 = vector.multi_reduction <maximumf>, %select_n3A_182, %reduce_max3A_204 [1] : vector<8x640xf32> to vector<8xf32>
    %broadcast_in_dim3A_206 = vector.shape_cast %reduce_max3A_205 : vector<8xf32> to vector<8x1xf32>
    %reduce_max3A_207 = arith.constant dense<0xFF800000> : vector<1xf32>
    %reduce_max3A_208 = vector.multi_reduction <maximumf>, %broadcast_in_dim3A_206, %reduce_max3A_207 [0] : vector<8x1xf32> to vector<1xf32>
    %broadcast_in_dim3A_209 = vector.shape_cast %reduce_max3A_208 : vector<1xf32> to vector<1x1xf32>
    %squeeze3A_210 = vector.extract %broadcast_in_dim3A_209[0, 0] : f32 from vector<1x1xf32>
    %while3A = arith.constant 0 : i32
    %while3A_211 = arith.constant 0 : i32
    %while3A_212:6 = scf.while (%while3A_213 = %while3A, %while3A_214 = %squeeze3A, %while3A_215 = %broadcast_in_dim3A_117, %while3A_216 = %while3A_211, %while3A_217 = %squeeze3A_210, %while3A_218 = %broadcast_in_dim3A_209) : (i32, f32, vector<1x1xf32>, i32, f32, vector<1x1xf32>) -> (i32, f32, vector<1x1xf32>, i32, f32, vector<1x1xf32>) {
      %lt3A_219 = arith.constant 2000 : i32
      %lt3A_220 = arith.cmpi slt, %while3A_213, %lt3A_219 : i32
      %gt3A = arith.constant 0xFF800000 : f32
      %gt3A_221 = arith.cmpf ogt, %while3A_214, %gt3A : f32
      %and3A_222 = arith.andi %lt3A_220, %gt3A_221 : i1
      %lt3A_223 = arith.constant 2000 : i32
      %lt3A_224 = arith.cmpi slt, %while3A_216, %lt3A_223 : i32
      %gt3A_225 = arith.constant 0xFF800000 : f32
      %gt3A_226 = arith.cmpf ogt, %while3A_217, %gt3A_225 : f32
      %and3A_227 = arith.andi %lt3A_224, %gt3A_226 : i1
      %or3A = arith.ori %and3A_222, %and3A_227 : i1
      scf.condition(%or3A) %while3A_213, %while3A_214, %while3A_215, %while3A_216, %while3A_217, %while3A_218 : i32, f32, vector<1x1xf32>, i32, f32, vector<1x1xf32>
    } do {
    ^bb0(%while3A_213: i32, %while3A_214: f32, %while3A_215: vector<1x1xf32>, %while3A_216: i32, %while3A_217: f32, %while3A_218: vector<1x1xf32>):
      %get3A_219 = arith.constant 0 : index
      %get3A_220 = arith.constant 0 : index
      %get3A_221 = arith.constant 0 : index
      %get3A_222 = vector.load %arg1[%get3A_219, %get3A_220, %get3A_221] : memref<4x8x640xf32, #tpu.memory_space<vmem>>, vector<1x8x640xf32>
      %get3A_223 = vector.shape_cast %get3A_222 : vector<1x8x640xf32> to vector<8x640xf32>
      %get3A_224 = arith.constant 2 : index
      %get3A_225 = arith.constant 0 : index
      %get3A_226 = arith.constant 0 : index
      %get3A_227 = vector.load %arg1[%get3A_224, %get3A_225, %get3A_226] : memref<4x8x640xf32, #tpu.memory_space<vmem>>, vector<1x8x640xf32>
      %get3A_228 = vector.shape_cast %get3A_227 : vector<1x8x640xf32> to vector<8x640xf32>
      %get3A_229 = arith.constant 0 : index
      %get3A_230 = arith.constant 0 : index
      %get3A_231 = vector.load %arg3[%get3A_229, %get3A_230] : memref<8x640xf32, #tpu.memory_space<vmem>>, vector<8x640xf32>
      %get3A_232 = arith.constant 0 : index
      %get3A_233 = arith.constant 0 : index
      %get3A_234 = vector.load %arg5[%get3A_232, %get3A_233] : memref<8x640xf32, #tpu.memory_space<vmem>>, vector<8x640xf32>
      %lt3A_235 = arith.constant 2000 : i32
      %lt3A_236 = arith.cmpi slt, %while3A_213, %lt3A_235 : i32
      %gt3A = arith.constant 0xFF800000 : f32
      %gt3A_237 = arith.cmpf ogt, %while3A_214, %gt3A : f32
      %and3A_238 = arith.andi %lt3A_236, %gt3A_237 : i1
      %lt3A_239 = arith.constant 2000 : i32
      %lt3A_240 = arith.cmpi slt, %while3A_216, %lt3A_239 : i32
      %gt3A_241 = arith.constant 0xFF800000 : f32
      %gt3A_242 = arith.cmpf ogt, %while3A_217, %gt3A_241 : f32
      %and3A_243 = arith.andi %lt3A_240, %gt3A_242 : i1
      %eq3A = vector.broadcast %while3A_215 : vector<1x1xf32> to vector<8x640xf32>
      %eq3A_244 = arith.cmpf oeq, %get3A_231, %eq3A : vector<8x640xf32>
      %jit3A_245 = arith.constant 1073741824 : i32
      %broadcast_in_dim3A_246 = vector.broadcast %jit3A_245 : i32 to vector<8x640xi32>
      %select_n3A_247 = arith.select %eq3A_244, %add3A_29, %broadcast_in_dim3A_246 : vector<8x640xi1>, vector<8x640xi32>
      %reduce_min3A = arith.constant dense<2147483647> : vector<8xi32>
      %reduce_min3A_248 = vector.multi_reduction <minsi>, %select_n3A_247, %reduce_min3A [1] : vector<8x640xi32> to vector<8xi32>
      %broadcast_in_dim3A_249 = vector.shape_cast %reduce_min3A_248 : vector<8xi32> to vector<8x1xi32>
      %reduce_min3A_250 = arith.constant dense<2147483647> : vector<1xi32>
      %reduce_min3A_251 = vector.multi_reduction <minsi>, %broadcast_in_dim3A_249, %reduce_min3A_250 [0] : vector<8x1xi32> to vector<1xi32>
      %broadcast_in_dim3A_252 = vector.shape_cast %reduce_min3A_251 : vector<1xi32> to vector<1x1xi32>
      %eq3A_253 = vector.broadcast %while3A_218 : vector<1x1xf32> to vector<8x640xf32>
      %eq3A_254 = arith.cmpf oeq, %get3A_234, %eq3A_253 : vector<8x640xf32>
      %jit3A_255 = arith.constant 1073741824 : i32
      %broadcast_in_dim3A_256 = vector.broadcast %jit3A_255 : i32 to vector<8x640xi32>
      %select_n3A_257 = arith.select %eq3A_254, %add3A_29, %broadcast_in_dim3A_256 : vector<8x640xi1>, vector<8x640xi32>
      %reduce_min3A_258 = arith.constant dense<2147483647> : vector<8xi32>
      %reduce_min3A_259 = vector.multi_reduction <minsi>, %select_n3A_257, %reduce_min3A_258 [1] : vector<8x640xi32> to vector<8xi32>
      %broadcast_in_dim3A_260 = vector.shape_cast %reduce_min3A_259 : vector<8xi32> to vector<8x1xi32>
      %reduce_min3A_261 = arith.constant dense<2147483647> : vector<1xi32>
      %reduce_min3A_262 = vector.multi_reduction <minsi>, %broadcast_in_dim3A_260, %reduce_min3A_261 [0] : vector<8x1xi32> to vector<1xi32>
      %broadcast_in_dim3A_263 = vector.shape_cast %reduce_min3A_262 : vector<1xi32> to vector<1x1xi32>
      %eq3A_264 = vector.broadcast %broadcast_in_dim3A_252 : vector<1x1xi32> to vector<8x640xi32>
      %eq3A_265 = arith.cmpi eq, %add3A_29, %eq3A_264 : vector<8x640xi32>
      %eq3A_266 = vector.broadcast %broadcast_in_dim3A_263 : vector<1x1xi32> to vector<8x640xi32>
      %eq3A_267 = arith.cmpi eq, %add3A_29, %eq3A_266 : vector<8x640xi32>
      %jit3A_268 = arith.constant 0xFF800000 : f32
      %broadcast_in_dim3A_269 = vector.broadcast %jit3A_268 : f32 to vector<8x640xf32>
      %select_n3A_270 = arith.select %eq3A_265, %get3A_223, %broadcast_in_dim3A_269 : vector<8x640xi1>, vector<8x640xf32>
      %reduce_max3A_271 = arith.constant dense<0xFF800000> : vector<8xf32>
      %reduce_max3A_272 = vector.multi_reduction <maximumf>, %select_n3A_270, %reduce_max3A_271 [1] : vector<8x640xf32> to vector<8xf32>
      %broadcast_in_dim3A_273 = vector.shape_cast %reduce_max3A_272 : vector<8xf32> to vector<8x1xf32>
      %reduce_max3A_274 = arith.constant dense<0xFF800000> : vector<1xf32>
      %reduce_max3A_275 = vector.multi_reduction <maximumf>, %broadcast_in_dim3A_273, %reduce_max3A_274 [0] : vector<8x1xf32> to vector<1xf32>
      %broadcast_in_dim3A_276 = vector.shape_cast %reduce_max3A_275 : vector<1xf32> to vector<1x1xf32>
      %jit3A_277 = arith.constant 0xFF800000 : f32
      %broadcast_in_dim3A_278 = vector.broadcast %jit3A_277 : f32 to vector<8x640xf32>
      %select_n3A_279 = arith.select %eq3A_267, %get3A_223, %broadcast_in_dim3A_278 : vector<8x640xi1>, vector<8x640xf32>
      %reduce_max3A_280 = arith.constant dense<0xFF800000> : vector<8xf32>
      %reduce_max3A_281 = vector.multi_reduction <maximumf>, %select_n3A_279, %reduce_max3A_280 [1] : vector<8x640xf32> to vector<8xf32>
      %broadcast_in_dim3A_282 = vector.shape_cast %reduce_max3A_281 : vector<8xf32> to vector<8x1xf32>
      %reduce_max3A_283 = arith.constant dense<0xFF800000> : vector<1xf32>
      %reduce_max3A_284 = vector.multi_reduction <maximumf>, %broadcast_in_dim3A_282, %reduce_max3A_283 [0] : vector<8x1xf32> to vector<1xf32>
      %broadcast_in_dim3A_285 = vector.shape_cast %reduce_max3A_284 : vector<1xf32> to vector<1x1xf32>
      %jit3A_286 = arith.constant 0xFF800000 : f32
      %broadcast_in_dim3A_287 = vector.broadcast %jit3A_286 : f32 to vector<8x640xf32>
      %select_n3A_288 = arith.select %eq3A_265, %get3A_228, %broadcast_in_dim3A_287 : vector<8x640xi1>, vector<8x640xf32>
      %reduce_max3A_289 = arith.constant dense<0xFF800000> : vector<8xf32>
      %reduce_max3A_290 = vector.multi_reduction <maximumf>, %select_n3A_288, %reduce_max3A_289 [1] : vector<8x640xf32> to vector<8xf32>
      %broadcast_in_dim3A_291 = vector.shape_cast %reduce_max3A_290 : vector<8xf32> to vector<8x1xf32>
      %reduce_max3A_292 = arith.constant dense<0xFF800000> : vector<1xf32>
      %reduce_max3A_293 = vector.multi_reduction <maximumf>, %broadcast_in_dim3A_291, %reduce_max3A_292 [0] : vector<8x1xf32> to vector<1xf32>
      %broadcast_in_dim3A_294 = vector.shape_cast %reduce_max3A_293 : vector<1xf32> to vector<1x1xf32>
      %jit3A_295 = arith.constant 0xFF800000 : f32
      %broadcast_in_dim3A_296 = vector.broadcast %jit3A_295 : f32 to vector<8x640xf32>
      %select_n3A_297 = arith.select %eq3A_267, %get3A_228, %broadcast_in_dim3A_296 : vector<8x640xi1>, vector<8x640xf32>
      %reduce_max3A_298 = arith.constant dense<0xFF800000> : vector<8xf32>
      %reduce_max3A_299 = vector.multi_reduction <maximumf>, %select_n3A_297, %reduce_max3A_298 [1] : vector<8x640xf32> to vector<8xf32>
      %broadcast_in_dim3A_300 = vector.shape_cast %reduce_max3A_299 : vector<8xf32> to vector<8x1xf32>
      %reduce_max3A_301 = arith.constant dense<0xFF800000> : vector<1xf32>
      %reduce_max3A_302 = vector.multi_reduction <maximumf>, %broadcast_in_dim3A_300, %reduce_max3A_301 [0] : vector<8x1xf32> to vector<1xf32>
      %broadcast_in_dim3A_303 = vector.shape_cast %reduce_max3A_302 : vector<1xf32> to vector<1x1xf32>
      %get3A_304 = arith.constant 0 : index
      %get3A_305 = arith.constant 0 : index
      %get3A_306 = arith.constant 0 : index
      %get3A_307 = vector.load %arg4[%get3A_304, %get3A_305, %get3A_306] : memref<3x8x640xf32, #tpu.memory_space<vmem>>, vector<1x8x640xf32>
      %get3A_308 = vector.shape_cast %get3A_307 : vector<1x8x640xf32> to vector<8x640xf32>
      %jit3A_309 = arith.constant 0xFF800000 : f32
      %broadcast_in_dim3A_310 = vector.broadcast %jit3A_309 : f32 to vector<8x640xf32>
      %select_n3A_311 = arith.select %eq3A_265, %get3A_308, %broadcast_in_dim3A_310 : vector<8x640xi1>, vector<8x640xf32>
      %reduce_max3A_312 = arith.constant dense<0xFF800000> : vector<8xf32>
      %reduce_max3A_313 = vector.multi_reduction <maximumf>, %select_n3A_311, %reduce_max3A_312 [1] : vector<8x640xf32> to vector<8xf32>
      %broadcast_in_dim3A_314 = vector.shape_cast %reduce_max3A_313 : vector<8xf32> to vector<8x1xf32>
      %reduce_max3A_315 = arith.constant dense<0xFF800000> : vector<1xf32>
      %reduce_max3A_316 = vector.multi_reduction <maximumf>, %broadcast_in_dim3A_314, %reduce_max3A_315 [0] : vector<8x1xf32> to vector<1xf32>
      %broadcast_in_dim3A_317 = vector.shape_cast %reduce_max3A_316 : vector<1xf32> to vector<1x1xf32>
      %get3A_318 = arith.constant 0 : index
      %get3A_319 = arith.constant 0 : index
      %get3A_320 = arith.constant 0 : index
      %get3A_321 = vector.load %arg6[%get3A_318, %get3A_319, %get3A_320] : memref<3x8x640xf32, #tpu.memory_space<vmem>>, vector<1x8x640xf32>
      %get3A_322 = vector.shape_cast %get3A_321 : vector<1x8x640xf32> to vector<8x640xf32>
      %jit3A_323 = arith.constant 0xFF800000 : f32
      %broadcast_in_dim3A_324 = vector.broadcast %jit3A_323 : f32 to vector<8x640xf32>
      %select_n3A_325 = arith.select %eq3A_267, %get3A_322, %broadcast_in_dim3A_324 : vector<8x640xi1>, vector<8x640xf32>
      %reduce_max3A_326 = arith.constant dense<0xFF800000> : vector<8xf32>
      %reduce_max3A_327 = vector.multi_reduction <maximumf>, %select_n3A_325, %reduce_max3A_326 [1] : vector<8x640xf32> to vector<8xf32>
      %broadcast_in_dim3A_328 = vector.shape_cast %reduce_max3A_327 : vector<8xf32> to vector<8x1xf32>
      %reduce_max3A_329 = arith.constant dense<0xFF800000> : vector<1xf32>
      %reduce_max3A_330 = vector.multi_reduction <maximumf>, %broadcast_in_dim3A_328, %reduce_max3A_329 [0] : vector<8x1xf32> to vector<1xf32>
      %broadcast_in_dim3A_331 = vector.shape_cast %reduce_max3A_330 : vector<1xf32> to vector<1x1xf32>
      %get3A_332 = arith.constant 1 : index
      %get3A_333 = arith.constant 0 : index
      %get3A_334 = arith.constant 0 : index
      %get3A_335 = vector.load %arg4[%get3A_332, %get3A_333, %get3A_334] : memref<3x8x640xf32, #tpu.memory_space<vmem>>, vector<1x8x640xf32>
      %get3A_336 = vector.shape_cast %get3A_335 : vector<1x8x640xf32> to vector<8x640xf32>
      %jit3A_337 = arith.constant 0xFF800000 : f32
      %broadcast_in_dim3A_338 = vector.broadcast %jit3A_337 : f32 to vector<8x640xf32>
      %select_n3A_339 = arith.select %eq3A_265, %get3A_336, %broadcast_in_dim3A_338 : vector<8x640xi1>, vector<8x640xf32>
      %reduce_max3A_340 = arith.constant dense<0xFF800000> : vector<8xf32>
      %reduce_max3A_341 = vector.multi_reduction <maximumf>, %select_n3A_339, %reduce_max3A_340 [1] : vector<8x640xf32> to vector<8xf32>
      %broadcast_in_dim3A_342 = vector.shape_cast %reduce_max3A_341 : vector<8xf32> to vector<8x1xf32>
      %reduce_max3A_343 = arith.constant dense<0xFF800000> : vector<1xf32>
      %reduce_max3A_344 = vector.multi_reduction <maximumf>, %broadcast_in_dim3A_342, %reduce_max3A_343 [0] : vector<8x1xf32> to vector<1xf32>
      %broadcast_in_dim3A_345 = vector.shape_cast %reduce_max3A_344 : vector<1xf32> to vector<1x1xf32>
      %get3A_346 = arith.constant 1 : index
      %get3A_347 = arith.constant 0 : index
      %get3A_348 = arith.constant 0 : index
      %get3A_349 = vector.load %arg6[%get3A_346, %get3A_347, %get3A_348] : memref<3x8x640xf32, #tpu.memory_space<vmem>>, vector<1x8x640xf32>
      %get3A_350 = vector.shape_cast %get3A_349 : vector<1x8x640xf32> to vector<8x640xf32>
      %jit3A_351 = arith.constant 0xFF800000 : f32
      %broadcast_in_dim3A_352 = vector.broadcast %jit3A_351 : f32 to vector<8x640xf32>
      %select_n3A_353 = arith.select %eq3A_267, %get3A_350, %broadcast_in_dim3A_352 : vector<8x640xi1>, vector<8x640xf32>
      %reduce_max3A_354 = arith.constant dense<0xFF800000> : vector<8xf32>
      %reduce_max3A_355 = vector.multi_reduction <maximumf>, %select_n3A_353, %reduce_max3A_354 [1] : vector<8x640xf32> to vector<8xf32>
      %broadcast_in_dim3A_356 = vector.shape_cast %reduce_max3A_355 : vector<8xf32> to vector<8x1xf32>
      %reduce_max3A_357 = arith.constant dense<0xFF800000> : vector<1xf32>
      %reduce_max3A_358 = vector.multi_reduction <maximumf>, %broadcast_in_dim3A_356, %reduce_max3A_357 [0] : vector<8x1xf32> to vector<1xf32>
      %broadcast_in_dim3A_359 = vector.shape_cast %reduce_max3A_358 : vector<1xf32> to vector<1x1xf32>
      %get3A_360 = arith.constant 0 : index
      %get3A_361 = arith.constant 2 : index
      %get3A_362 = arith.constant 0 : index
      %get3A_363 = arith.constant 0 : index
      %get3A_364 = vector.load %arg0[%get3A_360, %get3A_361, %get3A_362, %get3A_363] : memref<2x4x8x640xf32, #tpu.memory_space<vmem>>, vector<1x1x8x640xf32>
      %get3A_365 = vector.shape_cast %get3A_364 : vector<1x1x8x640xf32> to vector<8x640xf32>
      %jit3A_366 = arith.constant 0xFF800000 : f32
      %broadcast_in_dim3A_367 = vector.broadcast %jit3A_366 : f32 to vector<8x640xf32>
      %select_n3A_368 = arith.select %eq3A_265, %get3A_365, %broadcast_in_dim3A_367 : vector<8x640xi1>, vector<8x640xf32>
      %reduce_max3A_369 = arith.constant dense<0xFF800000> : vector<8xf32>
      %reduce_max3A_370 = vector.multi_reduction <maximumf>, %select_n3A_368, %reduce_max3A_369 [1] : vector<8x640xf32> to vector<8xf32>
      %broadcast_in_dim3A_371 = vector.shape_cast %reduce_max3A_370 : vector<8xf32> to vector<8x1xf32>
      %reduce_max3A_372 = arith.constant dense<0xFF800000> : vector<1xf32>
      %reduce_max3A_373 = vector.multi_reduction <maximumf>, %broadcast_in_dim3A_371, %reduce_max3A_372 [0] : vector<8x1xf32> to vector<1xf32>
      %broadcast_in_dim3A_374 = vector.shape_cast %reduce_max3A_373 : vector<1xf32> to vector<1x1xf32>
      %get3A_375 = arith.constant 1 : index
      %get3A_376 = arith.constant 2 : index
      %get3A_377 = arith.constant 0 : index
      %get3A_378 = arith.constant 0 : index
      %get3A_379 = vector.load %arg0[%get3A_375, %get3A_376, %get3A_377, %get3A_378] : memref<2x4x8x640xf32, #tpu.memory_space<vmem>>, vector<1x1x8x640xf32>
      %get3A_380 = vector.shape_cast %get3A_379 : vector<1x1x8x640xf32> to vector<8x640xf32>
      %jit3A_381 = arith.constant 0xFF800000 : f32
      %broadcast_in_dim3A_382 = vector.broadcast %jit3A_381 : f32 to vector<8x640xf32>
      %select_n3A_383 = arith.select %eq3A_267, %get3A_380, %broadcast_in_dim3A_382 : vector<8x640xi1>, vector<8x640xf32>
      %reduce_max3A_384 = arith.constant dense<0xFF800000> : vector<8xf32>
      %reduce_max3A_385 = vector.multi_reduction <maximumf>, %select_n3A_383, %reduce_max3A_384 [1] : vector<8x640xf32> to vector<8xf32>
      %broadcast_in_dim3A_386 = vector.shape_cast %reduce_max3A_385 : vector<8xf32> to vector<8x1xf32>
      %reduce_max3A_387 = arith.constant dense<0xFF800000> : vector<1xf32>
      %reduce_max3A_388 = vector.multi_reduction <maximumf>, %broadcast_in_dim3A_386, %reduce_max3A_387 [0] : vector<8x1xf32> to vector<1xf32>
      %broadcast_in_dim3A_389 = vector.shape_cast %reduce_max3A_388 : vector<1xf32> to vector<1x1xf32>
      %get3A_390 = arith.constant 0 : index
      %get3A_391 = arith.constant 3 : index
      %get3A_392 = arith.constant 0 : index
      %get3A_393 = arith.constant 0 : index
      %get3A_394 = vector.load %arg0[%get3A_390, %get3A_391, %get3A_392, %get3A_393] : memref<2x4x8x640xf32, #tpu.memory_space<vmem>>, vector<1x1x8x640xf32>
      %get3A_395 = vector.shape_cast %get3A_394 : vector<1x1x8x640xf32> to vector<8x640xf32>
      %jit3A_396 = arith.constant 0xFF800000 : f32
      %broadcast_in_dim3A_397 = vector.broadcast %jit3A_396 : f32 to vector<8x640xf32>
      %select_n3A_398 = arith.select %eq3A_265, %get3A_395, %broadcast_in_dim3A_397 : vector<8x640xi1>, vector<8x640xf32>
      %reduce_max3A_399 = arith.constant dense<0xFF800000> : vector<8xf32>
      %reduce_max3A_400 = vector.multi_reduction <maximumf>, %select_n3A_398, %reduce_max3A_399 [1] : vector<8x640xf32> to vector<8xf32>
      %broadcast_in_dim3A_401 = vector.shape_cast %reduce_max3A_400 : vector<8xf32> to vector<8x1xf32>
      %reduce_max3A_402 = arith.constant dense<0xFF800000> : vector<1xf32>
      %reduce_max3A_403 = vector.multi_reduction <maximumf>, %broadcast_in_dim3A_401, %reduce_max3A_402 [0] : vector<8x1xf32> to vector<1xf32>
      %broadcast_in_dim3A_404 = vector.shape_cast %reduce_max3A_403 : vector<1xf32> to vector<1x1xf32>
      %get3A_405 = arith.constant 1 : index
      %get3A_406 = arith.constant 3 : index
      %get3A_407 = arith.constant 0 : index
      %get3A_408 = arith.constant 0 : index
      %get3A_409 = vector.load %arg0[%get3A_405, %get3A_406, %get3A_407, %get3A_408] : memref<2x4x8x640xf32, #tpu.memory_space<vmem>>, vector<1x1x8x640xf32>
      %get3A_410 = vector.shape_cast %get3A_409 : vector<1x1x8x640xf32> to vector<8x640xf32>
      %jit3A_411 = arith.constant 0xFF800000 : f32
      %broadcast_in_dim3A_412 = vector.broadcast %jit3A_411 : f32 to vector<8x640xf32>
      %select_n3A_413 = arith.select %eq3A_267, %get3A_410, %broadcast_in_dim3A_412 : vector<8x640xi1>, vector<8x640xf32>
      %reduce_max3A_414 = arith.constant dense<0xFF800000> : vector<8xf32>
      %reduce_max3A_415 = vector.multi_reduction <maximumf>, %select_n3A_413, %reduce_max3A_414 [1] : vector<8x640xf32> to vector<8xf32>
      %broadcast_in_dim3A_416 = vector.shape_cast %reduce_max3A_415 : vector<8xf32> to vector<8x1xf32>
      %reduce_max3A_417 = arith.constant dense<0xFF800000> : vector<1xf32>
      %reduce_max3A_418 = vector.multi_reduction <maximumf>, %broadcast_in_dim3A_416, %reduce_max3A_417 [0] : vector<8x1xf32> to vector<1xf32>
      %broadcast_in_dim3A_419 = vector.shape_cast %reduce_max3A_418 : vector<1xf32> to vector<1x1xf32>
      %get3A_420 = arith.constant 0 : index
      %get3A_421 = arith.constant 0 : index
      %get3A_422 = arith.constant 0 : index
      %get3A_423 = vector.load %arg4[%get3A_420, %get3A_421, %get3A_422] : memref<3x8x640xf32, #tpu.memory_space<vmem>>, vector<1x8x640xf32>
      %get3A_424 = vector.shape_cast %get3A_423 : vector<1x8x640xf32> to vector<8x640xf32>
      %get3A_425 = arith.constant 1 : index
      %get3A_426 = arith.constant 0 : index
      %get3A_427 = arith.constant 0 : index
      %get3A_428 = vector.load %arg4[%get3A_425, %get3A_426, %get3A_427] : memref<3x8x640xf32, #tpu.memory_space<vmem>>, vector<1x8x640xf32>
      %get3A_429 = vector.shape_cast %get3A_428 : vector<1x8x640xf32> to vector<8x640xf32>
      %get3A_430 = arith.constant 2 : index
      %get3A_431 = arith.constant 0 : index
      %get3A_432 = arith.constant 0 : index
      %get3A_433 = vector.load %arg4[%get3A_430, %get3A_431, %get3A_432] : memref<3x8x640xf32, #tpu.memory_space<vmem>>, vector<1x8x640xf32>
      %get3A_434 = vector.shape_cast %get3A_433 : vector<1x8x640xf32> to vector<8x640xf32>
      %max3A_435 = vector.broadcast %broadcast_in_dim3A_276 : vector<1x1xf32> to vector<8x640xf32>
      %max3A_436 = arith.maximumf %max3A_435, %get3A_223 : vector<8x640xf32>
      %max3A_437 = vector.broadcast %broadcast_in_dim3A_317 : vector<1x1xf32> to vector<8x640xf32>
      %max3A_438 = arith.maximumf %max3A_437, %get3A_424 : vector<8x640xf32>
      %min3A = vector.broadcast %broadcast_in_dim3A_294 : vector<1x1xf32> to vector<8x640xf32>
      %min3A_439 = arith.minimumf %min3A, %get3A_228 : vector<8x640xf32>
      %min3A_440 = vector.broadcast %broadcast_in_dim3A_345 : vector<1x1xf32> to vector<8x640xf32>
      %min3A_441 = arith.minimumf %min3A_440, %get3A_429 : vector<8x640xf32>
      %sub3A_442 = arith.subf %min3A_439, %max3A_436 : vector<8x640xf32>
      %max3A_443 = arith.constant 0.000000e+00 : f32
      %max3A_444 = vector.broadcast %max3A_443 : f32 to vector<8x640xf32>
      %max3A_445 = arith.maximumf %sub3A_442, %max3A_444 : vector<8x640xf32>
      %sub3A_446 = arith.subf %min3A_441, %max3A_438 : vector<8x640xf32>
      %max3A_447 = arith.constant 0.000000e+00 : f32
      %max3A_448 = vector.broadcast %max3A_447 : f32 to vector<8x640xf32>
      %max3A_449 = arith.maximumf %sub3A_446, %max3A_448 : vector<8x640xf32>
      %mul3A_450 = arith.mulf %max3A_445, %max3A_449 : vector<8x640xf32>
      %sub3A_451 = arith.subf %broadcast_in_dim3A_294, %broadcast_in_dim3A_276 : vector<1x1xf32>
      %max3A_452 = arith.constant 0.000000e+00 : f32
      %max3A_453 = vector.broadcast %max3A_452 : f32 to vector<1x1xf32>
      %max3A_454 = arith.maximumf %sub3A_451, %max3A_453 : vector<1x1xf32>
      %sub3A_455 = arith.subf %broadcast_in_dim3A_345, %broadcast_in_dim3A_317 : vector<1x1xf32>
      %max3A_456 = arith.constant 0.000000e+00 : f32
      %max3A_457 = vector.broadcast %max3A_456 : f32 to vector<1x1xf32>
      %max3A_458 = arith.maximumf %sub3A_455, %max3A_457 : vector<1x1xf32>
      %mul3A_459 = arith.mulf %max3A_454, %max3A_458 : vector<1x1xf32>
      %add3A_460 = vector.broadcast %mul3A_459 : vector<1x1xf32> to vector<8x640xf32>
      %add3A_461 = arith.addf %get3A_434, %add3A_460 : vector<8x640xf32>
      %sub3A_462 = arith.subf %add3A_461, %mul3A_450 : vector<8x640xf32>
      %add3A_463 = arith.constant 9.99999993E-9 : f32
      %add3A_464 = vector.broadcast %add3A_463 : f32 to vector<8x640xf32>
      %add3A_465 = arith.addf %sub3A_462, %add3A_464 : vector<8x640xf32>
      %div3A_466 = arith.divf %mul3A_450, %add3A_465 : vector<8x640xf32>
      %gt3A_467 = arith.constant 3.000000e-01 : f32
      %gt3A_468 = vector.broadcast %gt3A_467 : f32 to vector<8x640xf32>
      %gt3A_469 = arith.cmpf ogt, %div3A_466, %gt3A_468 : vector<8x640xf32>
      %or3A = arith.ori %gt3A_469, %eq3A_265 : vector<8x640xi1>
      %jit3A_470 = arith.constant 0xFF800000 : f32
      %broadcast_in_dim3A_471 = vector.broadcast %jit3A_470 : f32 to vector<8x640xf32>
      %select_n3A_472 = arith.select %or3A, %broadcast_in_dim3A_471, %get3A_231 : vector<8x640xi1>, vector<8x640xf32>
      %select_n3A_473 = arith.select %and3A_238, %select_n3A_472, %get3A_231 : vector<8x640xf32>
      %swap3A_474 = arith.constant 0 : index
      %swap3A_475 = arith.constant 0 : index
      %swap3A_476 = vector.load %arg3[%swap3A_474, %swap3A_475] : memref<8x640xf32, #tpu.memory_space<vmem>>, vector<8x640xf32>
      tpu.vector_store %arg3[%swap3A_474, %swap3A_475], %select_n3A_473 {strides = array<i32>} : memref<8x640xf32, #tpu.memory_space<vmem>>, vector<8x640xf32>,
      %concatenate3A = tpu.concatenate %broadcast_in_dim3A_276, %broadcast_in_dim3A_317, %broadcast_in_dim3A_294, %broadcast_in_dim3A_345, %while3A_215, %broadcast_in_dim3A_374, %broadcast_in_dim3A_404, %broadcast_in_dim3A_33 in 1 : vector<1x1xf32>, vector<1x1xf32>, vector<1x1xf32>, vector<1x1xf32>, vector<1x1xf32>, vector<1x1xf32>, vector<1x1xf32>, vector<1x1xf32> -> vector<1x8xf32>
      %jit3A_477 = arith.constant 2000 : i32
      %select_n3A_478 = arith.select %and3A_238, %while3A_213, %jit3A_477 : i32
      %swap3A_479 = arith.constant 0 : index
      %swap3A_480 = arith.index_cast %select_n3A_478 : i32 to index
      %swap3A_481 = arith.constant 0 : index
      %swap3A_482 = vector.load %arg2[%swap3A_479, %swap3A_480, %swap3A_481] : memref<2x2008x8xf32, #tpu.memory_space<vmem>>, vector<1x1x8xf32>
      %swap3A_483 = vector.shape_cast %swap3A_482 : vector<1x1x8xf32> to vector<1x8xf32>
      %swap3A_484 = vector.shape_cast %concatenate3A : vector<1x8xf32> to vector<1x1x8xf32>
      tpu.vector_store %arg2[%swap3A_479, %swap3A_480, %swap3A_481], %swap3A_484 {strides = array<i32>} : memref<2x2008x8xf32, #tpu.memory_space<vmem>>, vector<1x1x8xf32>,
      %reduce_max3A_485 = arith.constant dense<0xFF800000> : vector<8xf32>
      %reduce_max3A_486 = vector.multi_reduction <maximumf>, %select_n3A_473, %reduce_max3A_485 [1] : vector<8x640xf32> to vector<8xf32>
      %broadcast_in_dim3A_487 = vector.shape_cast %reduce_max3A_486 : vector<8xf32> to vector<8x1xf32>
      %reduce_max3A_488 = arith.constant dense<0xFF800000> : vector<1xf32>
      %reduce_max3A_489 = vector.multi_reduction <maximumf>, %broadcast_in_dim3A_487, %reduce_max3A_488 [0] : vector<8x1xf32> to vector<1xf32>
      %broadcast_in_dim3A_490 = vector.shape_cast %reduce_max3A_489 : vector<1xf32> to vector<1x1xf32>
      %convert_element_type3A = arith.extui %and3A_238 : i1 to i32
      %add3A_491 = arith.addi %while3A_213, %convert_element_type3A : i32
      %squeeze3A_492 = vector.extract %broadcast_in_dim3A_490[0, 0] : f32 from vector<1x1xf32>
      %get3A_493 = arith.constant 0 : index
      %get3A_494 = arith.constant 0 : index
      %get3A_495 = arith.constant 0 : index
      %get3A_496 = vector.load %arg6[%get3A_493, %get3A_494, %get3A_495] : memref<3x8x640xf32, #tpu.memory_space<vmem>>, vector<1x8x640xf32>
      %get3A_497 = vector.shape_cast %get3A_496 : vector<1x8x640xf32> to vector<8x640xf32>
      %get3A_498 = arith.constant 1 : index
      %get3A_499 = arith.constant 0 : index
      %get3A_500 = arith.constant 0 : index
      %get3A_501 = vector.load %arg6[%get3A_498, %get3A_499, %get3A_500] : memref<3x8x640xf32, #tpu.memory_space<vmem>>, vector<1x8x640xf32>
      %get3A_502 = vector.shape_cast %get3A_501 : vector<1x8x640xf32> to vector<8x640xf32>
      %get3A_503 = arith.constant 2 : index
      %get3A_504 = arith.constant 0 : index
      %get3A_505 = arith.constant 0 : index
      %get3A_506 = vector.load %arg6[%get3A_503, %get3A_504, %get3A_505] : memref<3x8x640xf32, #tpu.memory_space<vmem>>, vector<1x8x640xf32>
      %get3A_507 = vector.shape_cast %get3A_506 : vector<1x8x640xf32> to vector<8x640xf32>
      %max3A_508 = vector.broadcast %broadcast_in_dim3A_285 : vector<1x1xf32> to vector<8x640xf32>
      %max3A_509 = arith.maximumf %max3A_508, %get3A_223 : vector<8x640xf32>
      %max3A_510 = vector.broadcast %broadcast_in_dim3A_331 : vector<1x1xf32> to vector<8x640xf32>
      %max3A_511 = arith.maximumf %max3A_510, %get3A_497 : vector<8x640xf32>
      %min3A_512 = vector.broadcast %broadcast_in_dim3A_303 : vector<1x1xf32> to vector<8x640xf32>
      %min3A_513 = arith.minimumf %min3A_512, %get3A_228 : vector<8x640xf32>
      %min3A_514 = vector.broadcast %broadcast_in_dim3A_359 : vector<1x1xf32> to vector<8x640xf32>
      %min3A_515 = arith.minimumf %min3A_514, %get3A_502 : vector<8x640xf32>
      %sub3A_516 = arith.subf %min3A_513, %max3A_509 : vector<8x640xf32>
      %max3A_517 = arith.constant 0.000000e+00 : f32
      %max3A_518 = vector.broadcast %max3A_517 : f32 to vector<8x640xf32>
      %max3A_519 = arith.maximumf %sub3A_516, %max3A_518 : vector<8x640xf32>
      %sub3A_520 = arith.subf %min3A_515, %max3A_511 : vector<8x640xf32>
      %max3A_521 = arith.constant 0.000000e+00 : f32
      %max3A_522 = vector.broadcast %max3A_521 : f32 to vector<8x640xf32>
      %max3A_523 = arith.maximumf %sub3A_520, %max3A_522 : vector<8x640xf32>
      %mul3A_524 = arith.mulf %max3A_519, %max3A_523 : vector<8x640xf32>
      %sub3A_525 = arith.subf %broadcast_in_dim3A_303, %broadcast_in_dim3A_285 : vector<1x1xf32>
      %max3A_526 = arith.constant 0.000000e+00 : f32
      %max3A_527 = vector.broadcast %max3A_526 : f32 to vector<1x1xf32>
      %max3A_528 = arith.maximumf %sub3A_525, %max3A_527 : vector<1x1xf32>
      %sub3A_529 = arith.subf %broadcast_in_dim3A_359, %broadcast_in_dim3A_331 : vector<1x1xf32>
      %max3A_530 = arith.constant 0.000000e+00 : f32
      %max3A_531 = vector.broadcast %max3A_530 : f32 to vector<1x1xf32>
      %max3A_532 = arith.maximumf %sub3A_529, %max3A_531 : vector<1x1xf32>
      %mul3A_533 = arith.mulf %max3A_528, %max3A_532 : vector<1x1xf32>
      %add3A_534 = vector.broadcast %mul3A_533 : vector<1x1xf32> to vector<8x640xf32>
      %add3A_535 = arith.addf %get3A_507, %add3A_534 : vector<8x640xf32>
      %sub3A_536 = arith.subf %add3A_535, %mul3A_524 : vector<8x640xf32>
      %add3A_537 = arith.constant 9.99999993E-9 : f32
      %add3A_538 = vector.broadcast %add3A_537 : f32 to vector<8x640xf32>
      %add3A_539 = arith.addf %sub3A_536, %add3A_538 : vector<8x640xf32>
      %div3A_540 = arith.divf %mul3A_524, %add3A_539 : vector<8x640xf32>
      %gt3A_541 = arith.constant 3.000000e-01 : f32
      %gt3A_542 = vector.broadcast %gt3A_541 : f32 to vector<8x640xf32>
      %gt3A_543 = arith.cmpf ogt, %div3A_540, %gt3A_542 : vector<8x640xf32>
      %or3A_544 = arith.ori %gt3A_543, %eq3A_267 : vector<8x640xi1>
      %jit3A_545 = arith.constant 0xFF800000 : f32
      %broadcast_in_dim3A_546 = vector.broadcast %jit3A_545 : f32 to vector<8x640xf32>
      %select_n3A_547 = arith.select %or3A_544, %broadcast_in_dim3A_546, %get3A_234 : vector<8x640xi1>, vector<8x640xf32>
      %select_n3A_548 = arith.select %and3A_243, %select_n3A_547, %get3A_234 : vector<8x640xf32>
      %swap3A_549 = arith.constant 0 : index
      %swap3A_550 = arith.constant 0 : index
      %swap3A_551 = vector.load %arg5[%swap3A_549, %swap3A_550] : memref<8x640xf32, #tpu.memory_space<vmem>>, vector<8x640xf32>
      tpu.vector_store %arg5[%swap3A_549, %swap3A_550], %select_n3A_548 {strides = array<i32>} : memref<8x640xf32, #tpu.memory_space<vmem>>, vector<8x640xf32>,
      %concatenate3A_552 = tpu.concatenate %broadcast_in_dim3A_285, %broadcast_in_dim3A_331, %broadcast_in_dim3A_303, %broadcast_in_dim3A_359, %while3A_218, %broadcast_in_dim3A_389, %broadcast_in_dim3A_419, %broadcast_in_dim3A_33 in 1 : vector<1x1xf32>, vector<1x1xf32>, vector<1x1xf32>, vector<1x1xf32>, vector<1x1xf32>, vector<1x1xf32>, vector<1x1xf32>, vector<1x1xf32> -> vector<1x8xf32>
      %jit3A_553 = arith.constant 2000 : i32
      %select_n3A_554 = arith.select %and3A_243, %while3A_216, %jit3A_553 : i32
      %swap3A_555 = arith.constant 1 : index
      %swap3A_556 = arith.index_cast %select_n3A_554 : i32 to index
      %swap3A_557 = arith.constant 0 : index
      %swap3A_558 = vector.load %arg2[%swap3A_555, %swap3A_556, %swap3A_557] : memref<2x2008x8xf32, #tpu.memory_space<vmem>>, vector<1x1x8xf32>
      %swap3A_559 = vector.shape_cast %swap3A_558 : vector<1x1x8xf32> to vector<1x8xf32>
      %swap3A_560 = vector.shape_cast %concatenate3A_552 : vector<1x8xf32> to vector<1x1x8xf32>
      tpu.vector_store %arg2[%swap3A_555, %swap3A_556, %swap3A_557], %swap3A_560 {strides = array<i32>} : memref<2x2008x8xf32, #tpu.memory_space<vmem>>, vector<1x1x8xf32>,
      %reduce_max3A_561 = arith.constant dense<0xFF800000> : vector<8xf32>
      %reduce_max3A_562 = vector.multi_reduction <maximumf>, %select_n3A_548, %reduce_max3A_561 [1] : vector<8x640xf32> to vector<8xf32>
      %broadcast_in_dim3A_563 = vector.shape_cast %reduce_max3A_562 : vector<8xf32> to vector<8x1xf32>
      %reduce_max3A_564 = arith.constant dense<0xFF800000> : vector<1xf32>
      %reduce_max3A_565 = vector.multi_reduction <maximumf>, %broadcast_in_dim3A_563, %reduce_max3A_564 [0] : vector<8x1xf32> to vector<1xf32>
      %broadcast_in_dim3A_566 = vector.shape_cast %reduce_max3A_565 : vector<1xf32> to vector<1x1xf32>
      %convert_element_type3A_567 = arith.extui %and3A_243 : i1 to i32
      %add3A_568 = arith.addi %while3A_216, %convert_element_type3A_567 : i32
      %squeeze3A_569 = vector.extract %broadcast_in_dim3A_566[0, 0] : f32 from vector<1x1xf32>
      scf.yield %add3A_491, %squeeze3A_492, %broadcast_in_dim3A_490, %add3A_568, %squeeze3A_569, %broadcast_in_dim3A_566 : i32, f32, vector<1x1xf32>, i32, f32, vector<1x1xf32>
    }
    return
  }
}

</mosaic_0001>

<sc_bundles>
// kernel: kernel.4.cloned.1.call-start
scs
__scs_entry_jumppad:
0x0: {  	(pc) =	sbr.rel $0x88, $3  }
0x1: {  	(tag) =	ssettag $0x0;
	lr =	simm.s32 $0x1  }
0x2: {  	[smem:$0x3F9D] =	sst lr;
	_ =	strace $0xD0000000  }
0x3: {  	_ = 	snop  }
0x4: {  	_ = 	snop  }
0x5: {  	_ = 	snop  }
0x6: {  	_ = 	snop  }
0x7: {  	_ = 	snop  }
__scs_overlays_trampoline_lowered:
0x8: {  	[smem:$0x3FAC] =	sst s0  }
0x9: {  	[smem:$0x3FAD] =	sst s1  }
0xa: {  	[smem:$0x3FAE] =	sst s2  }
0xb: {  	[smem:$0x3FAF] =	sst s3  }
0xc: {  	[smem:$0x3FB0] =	sst s4  }
0xd: {  	[smem:$0x3FB1] =	sst s5  }
0xe: {  	[smem:$0x3FB2] =	sst s6  }
0xf: {  	[smem:$0x3FB3] =	sst s7  }
0x10: {  	[smem:$0x3FB4] =	sst s8  }
0x11: {  	[smem:$0x3FB5] =	sst s9;
	s0 =	simm.s32 @!p0 $0x0  }
0x12: {  	s1 =	sld [smem:$0x3F9B];
	s0 =	simm.s32 @p0 $0x1  }
0x13: {  	[smem:$0x3FB6] =	sst s0;
	s0 =	simm.s32 @!p1 $0x0  }
0x14: {  	s2 =	sld [smem:$0x3F9A];
	s0 =	simm.s32 @p1 $0x1  }
0x15: {  	[smem:$0x3FB7] =	sst s0;
	s0 =	simm.s32 @!p2 $0x0  }
0x16: {  	s3 =	sld [smem:$0x3FDB];
	s0 =	simm.s32 @p2 $0x1  }
0x17: {  	s4 =	simm.s32 $0x1BF5;
	[smem:$0x3FB9] =	sst s0  }
0x18: {  	s0 =	sld [smem:$0x3F9C];
	_ =	swait.ge [sflag:s4], $0x0  }
0x19: {  	s7 =	sld [smem:$0x3F9D]  }
0x1a: {  	s8 =	sadd.s32 $0xFFFFE003, lr  }
0x1b: {  	s9 =	sadd.s32 $0xFFFFFEF7, lr;
	s5 =	simm.s32 $0xFFFFFFFF;
	p2 =	slt.u32 s8, $0xFFFFF086  }
0x1c: {  	p1 =	slt.u32 s9, $0xF7A;
	s5 =	simm.s32 @!p2 $0x0  }
0x1d: {  	s5 =	simm.s32 @p1 $0x1;
	p0 =	seq.s32 s7, s2  }
0x1e: {  	s7 =	smul.u32 @!p0 $0xF7A, s2;
	p2 =	seq.s32 @!p0 s5, $0x0  }
0x1f: {  	s9 =	smul.u32 $0xF7A, s1;
	s8 =	simm.s32 @!p0 $0x1BF5;
	p2 =	por !p2, p0  }
0x20: {  	[sflag:s8] =	ssyncset.s32 @!p0 $0xFFFFF086;
	s6 =	sadd.s32 @!p0 s3, s7;
	s7 =	simm.s32 @!p0 $0x108  }
0x21: {  	s3 =	sadd.s32 s3, s9;
	s6 =	sadd.s32 @!p0 $0x88, s6;
	s7 =	simm.s32 @p2 $0x1082  }
0x22: {  	[simem:s7], [sflag:s8] =	dma.local @!p0 [hbm:s6], $0xF7A  }
0x23: {  	s9 =	sor.u32 $0xD0000000, s2;
	s6 =	simm.s32 $0x108;
	_ =	swait.ge @!p0 [sflag:s8], $0x0  }
0x24: {  	s3 =	sadd.s32 $0x88, s3;
	s6 =	simm.s32 @!p1 $0x1082;
	[sflag:s4] =	ssyncset.s32 $0xFFFFF086  }
0x25: {  	[simem:s6], [sflag:s4] =	dma.local [hbm:s3], $0xF7A  }
0x26: {  	[smem:$0x3F9D] =	sst s1;
	(tag) =	ssettag s2;
	_ =	strace s9  }
0x27: {  	s1 =	sld [smem:$0x3FAD]  }
0x28: {  	s2 =	sld [smem:$0x3FAE]  }
0x29: {  	s4 =	sld [smem:$0x3FB0]  }
0x2a: {  	p0 =	seq.s32 s5, $0x0;
	s5 =	sld [smem:$0x3FB1]  }
0x2b: {  	s6 =	sld [smem:$0x3FB2]  }
0x2c: {  	s7 =	sld [smem:$0x3FB3]  }
0x2d: {  	s3 =	simm.s32 $0x108;
	s8 =	sld [smem:$0x3FB4]  }
0x2e: {  	s3 =	simm.s32 @!p0 $0x1082;
	s9 =	sld [smem:$0x3FB5]  }
0x2f: {  	lr =	sadd.s32 s0, s3;
	s0 =	sld [smem:$0x3FAC]  }
0x30: {  	s3 =	sld [smem:$0x3FAF]  }
0x31: {  	[smem:$0x3FB8] =	sst s10  }
0x32: {  	s10 =	sld [smem:$0x3FB6];
	_ =	sdelay $0x3  }
0x33: {  	p0 =	seq.s32 s10, $0x1;
	s10 =	sld [smem:$0x3FB8];
	_ =	sdelay $0x3  }
0x34: {  	[smem:$0x3FB8] =	sst s10  }
0x35: {  	s10 =	sld [smem:$0x3FB7];
	_ =	sdelay $0x3  }
0x36: {  	p1 =	seq.s32 s10, $0x1;
	s10 =	sld [smem:$0x3FB8];
	_ =	sdelay $0x3  }
0x37: {  	[smem:$0x3FB8] =	sst s10  }
0x38: {  	s10 =	sld [smem:$0x3FB9]  }
0x39: {  	_ = 	snop;
	(pc) =	sbr.ind lr, $3  }
0x3a: {  	_ = 	snop  }
0x3b: {  	_ = 	snop  }
0x3c: {  	p2 =	seq.s32 s10, $0x1;
	s10 =	sld [smem:$0x3FB8]  }
0x3d: {  	_ =	shalt  }
0x3e: {  	_ =	shalt  }
0x3f: {  	_ =	shalt  }
0x40: {  	_ =	shalt  }
0x41: {  	_ =	shalt  }
0x42: {  	_ =	shalt  }
0x43: {  	_ =	shalt  }
0x44: {  	_ =	shalt  }
0x45: {  	_ =	shalt  }
0x46: {  	_ =	shalt  }
0x47: {  	_ =	shalt  }
0x48: {  	_ =	shalt  }
0x49: {  	_ =	shalt  }
0x4a: {  	_ =	shalt  }
0x4b: {  	_ =	shalt  }
0x4c: {  	_ =	shalt  }
0x4d: {  	_ =	shalt  }
0x4e: {  	_ =	shalt  }
0x4f: {  	_ =	shalt  }
0x50: {  	_ =	shalt  }
0x51: {  	_ =	shalt  }
0x52: {  	_ =	shalt  }
0x53: {  	_ =	shalt  }
0x54: {  	_ =	shalt  }
0x55: {  	_ =	shalt  }
0x56: {  	_ =	shalt  }
0x57: {  	_ =	shalt  }
0x58: {  	_ =	shalt  }
0x59: {  	_ =	shalt  }
0x5a: {  	_ =	shalt  }
0x5b: {  	_ =	shalt  }
0x5c: {  	_ =	shalt  }
0x5d: {  	_ =	shalt  }
0x5e: {  	_ =	shalt  }
0x5f: {  	_ =	shalt  }
0x60: {  	_ =	shalt  }
0x61: {  	_ =	shalt  }
0x62: {  	_ =	shalt  }
0x63: {  	_ =	shalt  }
0x64: {  	_ =	shalt  }
0x65: {  	_ =	shalt  }
0x66: {  	_ =	shalt  }
0x67: {  	_ =	shalt  }
0x68: {  	_ =	shalt  }
0x69: {  	_ =	shalt  }
0x6a: {  	_ =	shalt  }
0x6b: {  	_ =	shalt  }
0x6c: {  	_ =	shalt  }
0x6d: {  	_ =	shalt  }
0x6e: {  	_ =	shalt  }
0x6f: {  	_ =	shalt  }
0x70: {  	_ =	shalt  }
0x71: {  	_ =	shalt  }
0x72: {  	_ =	shalt  }
0x73: {  	_ =	shalt  }
0x74: {  	_ =	shalt  }
0x75: {  	_ =	shalt  }
0x76: {  	_ =	shalt  }
0x77: {  	_ =	shalt  }
0x78: {  	_ =	shalt  }
0x79: {  	_ =	shalt  }
0x7a: {  	_ =	shalt  }
0x7b: {  	_ =	shalt  }
0x7c: {  	_ =	shalt  }
0x7d: {  	_ =	shalt  }
0x7e: {  	_ =	shalt  }
0x7f: {  	_ =	shalt  }
0x80: {  	_ =	shalt  }
0x81: {  	_ =	shalt  }
0x82: {  	_ =	shalt  }
0x83: {  	_ =	shalt  }
0x84: {  	_ =	shalt  }
0x85: {  	_ =	shalt  }
0x86: {  	_ =	shalt  }
0x87: {  	_ =	shalt  }
.Lfunc_end0:
.L_simem_size_0:
called_computation_lowered:
.L_overlay_start_0:
0x88: {  	s2 =	sld [smem:$0x3FD9]  }
0x89: {  	s3 =	sld [smem:$0x3FFE];
	_ =	sdelay $0x1  }
0x8a: {  	s1 =	srdreg.scid  }
0x8b: {  	s0 =	sand.u32 $0x1, s1  }
0x8c: {  	s14 =	sshll.u32 s0, $0xA;
	s2 =	sadd.s32 s3, s2  }
0x8d: {  	s2 =	sadd.s32 s2, s14  }
0x8e: {  	[smem:$0x3FC4] =	sst s2  }
0x8f: {  	_ = 	snop  }
0x90: {  	s2 =	sld [smem:$0x3FD0];
	_ =	sdelay $0x2  }
0x91: {  	s15 =	simm.s32 $0xA;
	s4 =	simm.s32 $0x10  }
0x92: {  	[smem:s4], [sflag:s15] =	dma.local [hbm:s2], $0x1  }
0x93: {  	_ =	swait.eq [sflag:s15], $0x1  }
0x94: {  	[sflag:s15] =	ssyncset.done $0x0  }
0x95: {  	[sflag:s15] =	ssyncadd.s32 $0xFFFFFFFF  }
0x96: {  	s16 =	sld [smem:$0x12];
	(tm) =	ssettm $0x1  }
0x97: {  	s17 =	sld [smem:$0x3FFB];
	_ =	sdelay $0x3  }
0x98: {  	_ =	strace s17  }
0x99: {  	s3 =	sld [smem:$0x3FFC];
	_ =	sdelay $0x3  }
0x9a: {  	_ =	strace s3  }
0x9b: {  	s3 =	sld [smem:$0x3FFD];
	_ =	sdelay $0x3  }
0x9c: {  	_ =	strace s3  }
0x9d: {  	_ =	strace $0x8FFFFFFF  }
0x9e: {  	s18 =	sld [smem:$0x3FDB];
	_ =	sdelay $0x1  }
0x9f: {  	s19 =	simm.s32 $_scs_section_size  }
0xa0: {  	s5 =	simm.s32 $_size__tile_overlayer_lowered;
	s6 =	simm.s32 $_tile_overlayer_lowered  }
0xa1: {  	s22 =	simm.s32 $0x1BFF;
	s21 =	sshll.u32 s6, $0x1;
	s3 =	sadd.s32 s19, s18  }
0xa2: {  	s7 =	simm.s32 $0x0;
	s20 =	sshll.u32 s5, $0x1;
	s5 =	sadd.s32 s21, s3  }
0xa3: {  	[timem:s7], [sflag:s22] =	dma.local [hbm:s5], s20  }
0xa4: {  	_ =	swait.ge [sflag:s22], s20  }
0xa5: {  	s4 =	ssub.s32 $0x0, s20;
	[sflag:s22] =	ssyncset.done $0x0  }
0xa6: {  	[sflag:s22] =	ssyncadd.s32 s4;
	_ =	sdelay $0x1  }
0xa7: {  	s23 =	simm.s32 $0x1B8B  }
0xa8: {  	_ =	swait.ge [sflag:s23], $0x1  }
0xa9: {  	[sflag:s23] =	ssyncset.done $0x0  }
0xaa: {  	s25 =	simm.s32 $0x1B8E;
	s24 =	sld [smem:$0x3FFE];
	[sflag:s23] =	ssyncadd.s32 $0xFFFFFFFF  }
0xab: {  	s26 =	simm.s32 $execute0_lowered;
	[smem:$0x3FD2] =	sst s25  }
0xac: {  	s5 =	sshll.u32 s26, $0x1;
	_ =	strace $0x80000046;
	[dreg:$0x1] =	wrdreg $0xFFFFFFFF  }
0xad: {  	s28 =	simm.s32 $_size_execute0_lowered;
	s3 =	sadd.s32 s3, s5;
	[dreg:$0x0] =	wrdreg $0x0  }
0xae: {  	s5 =	sshll.u32 s28, $0x1;
	[dreg:$0x2] =	wrdreg s3  }
0xaf: {  	[dreg:$0x3] =	wrdreg s5  }
0xb0: {  	[dreg:$0x4] =	wrdreg $0xC0  }
0xb1: {  	_ =	task [dreg:s7], $0x5FFFF  }
0xb2: {  	[dreg:$0x1] =	wrdreg $0xFFFFFFFF  }
0xb3: {  	[dreg:$0x0] =	wrdreg $0x60  }
0xb4: {  	[dreg:$0x2] =	wrdreg s24  }
0xb5: {  	[dreg:$0x3] =	wrdreg s16  }
0xb6: {  	[dreg:$0x4] =	wrdreg $0x9  }
0xb7: {  	_ =	task.clear_ibuf [dreg:s7], $0x5FFFF;
	_ =	strace $0x90000046  }
0xb8: {  	s29 =	simm.s32 $0x9;
	_ =	strace $0x80000048  }
0xb9: {  	_ =	swait.ge [sflag:s29], $0x1  }
0xba: {  	[sflag:s29] =	ssyncadd.s32 $0xFFFFFFFF  }
0xbb: {  	_ =	strace $0x90000048  }
0xbc: {  	_ =	sfence  }
0xbd: {  	s30 =	sld [smem:$0x0];
	_ =	sdelay $0x2  }
0xbe: {  	s31 =	sshll.u32 s1, $0xD;
	s1 =	sshrl.u32 s1, $0x2  }
0xbf: {  	s3 =	sand.u32 $0x4000, s31;
	s1 =	sadd.s32 s1, s30  }
0xc0: {  	s0 =	sor.u32 s3, s0;
	s1 =	sshll.u32 s1, $0x11  }
0xc1: {  	s0 =	sor.u32 s1, s0  }
0xc2: {  	s0 =	sadd.s32 $0x8F2B, s0  }
0xc3: {  	[sflag:s0] =	ssyncadd.remote.s32 $0x1  }
0xc4: {  	_ =	sfence.sel $0xFFFF  }
0xc5: {  	[dreg:$0x0] =	wrdreg $0xFFFFFFFF;
	(pc) =	sbr.abs _section_cstart, $3  }
0xc6: {  	[dreg:$0x1] =	wrdreg $0xFFFFFFFF  }
0xc7: {  	_ =	task.clear_ibuf [dreg:s7], $0x2FFFF;
	_ =	strace $0x9FFFFFFF  }
0xc8: {  	(tm) =	ssettm $0x7FFFFFFF  }
0xc9: {  	_ =	shalt  }
tec
execute0_lowered:
.L_overlay_start_1:
0x0: {  	(tag) =	ssettag $0x1  }
0x1: {  	s1 =	srdreg.scid;
	s0 =	stileid.u32  }
0x2: {  	s9 =	rddreg [dreg:$0x0];
	s15 =	sand.u32 $0x1, s1;
	s31 =	sshll.u32 s0, $0x1  }
0x3: {  	s3 =	rddreg [dreg:$0x1];
	s10 =	sor.u32 s15, s31  }
0x4: {  	s2 =	simm.s32 $0x0;
	s1 =	rddreg [dreg:$0x2];
	s4 =	smul.u32 $0x28, s10  }
0x5: {  	[smem:$0x7FF] =	sst s2  }
0x6: {  	_ =	strace $0x80000047;
	s4 =	sadd.s32 s3, s4;
	s3 =	simm.s32 $0x2  }
0x7: {  	[tilespmem:s2], [sflag:$0x2] =	stream.linear.gather [hbm4b:s4+s2], $0x140, $0x38;
	[tilespmem:$0x340] =	vst v63  }
0x8: {  	_ =	swait.ge [sflag:s3], $0x140  }
0x9: {  	s6 =	simm.s32 $0x40;
	s7 =	simm.s32 $0x140;
	[sflag:s3] =	ssyncset.done $0x0  }
0xa: {  	s8 =	simm.s32 $0x1;
	s5 =	sadd.s32 $0xA00, s9;
	[sflag:s3] =	ssyncadd.s32 $0xFFFFFEC0  }
0xb: {  	[tilespmem:s7], [sflag:$0x1] =	stream.indirect.gather [hbm4b:s5+s6], $0x8, s2, s6, $0xb8;
	[tilespmem:$0x340] =	vst v63  }
0xc: {  	s11 =	smul.u32 $0x140, s10;
	_ =	swait.ge [sflag:s8], $0x200  }
0xd: {  	s12 =	sadd.s32 $0xA800, s9;
	[sflag:s8] =	ssyncset.done $0x0  }
0xe: {  	s9 =	sadd.s32 s12, s11;
	[sflag:s8] =	ssyncadd.s32 $0xFFFFFE00  }
0xf: {  	[hbm4b:s9+s2] =	stream.linear.scatter [tilespmem:s7], [sflag:$0x2], $0x200, $0x38;
	[tilespmem:$0x340] =	vst v63  }
0x10: {  	_ =	swait.ge [sflag:s3], $0x200  }
0x11: {  	[sflag:s3] =	ssyncset.done $0x0  }
0x12: {  	s10 =	smul.u32 $0xA00, s10;
	[sflag:s3] =	ssyncadd.s32 $0xFFFFFE00  }
0x13: {  	[tilespmem:s7], [sflag:$0x1] =	stream.indirect.gather [hbm4b:s5+s6], $0x8, s6, s6, $0xb8;
	[tilespmem:$0x340] =	vst v63  }
0x14: {  	s10 =	sshrl.u32 s10, $0x3;
	_ =	swait.ge [sflag:s8], $0x200  }
0x15: {  	s16 =	sadd.s32 s12, s10;
	[sflag:s8] =	ssyncset.done $0x0  }
0x16: {  	s10 =	sadd.s32 $0x40, s16;
	[sflag:s8] =	ssyncadd.s32 $0xFFFFFE00  }
0x17: {  	[hbm4b:s10+s2] =	stream.linear.scatter [tilespmem:s7], [sflag:$0x2], $0x200, $0x38;
	[tilespmem:$0x340] =	vst v63  }
0x18: {  	_ =	swait.ge [sflag:s3], $0x200  }
0x19: {  	[sflag:s3] =	ssyncset.done $0x0  }
0x1a: {  	s11 =	simm.s32 $0x80;
	[sflag:s3] =	ssyncadd.s32 $0xFFFFFE00  }
0x1b: {  	[tilespmem:s7], [sflag:$0x1] =	stream.indirect.gather [hbm4b:s5+s6], $0x8, s11, s6, $0xb8;
	[tilespmem:$0x340] =	vst v63  }
0x1c: {  	_ =	swait.ge [sflag:s8], $0x200  }
0x1d: {  	[sflag:s8] =	ssyncset.done $0x0  }
0x1e: {  	s12 =	sadd.s32 $0x80, s16;
	[sflag:s8] =	ssyncadd.s32 $0xFFFFFE00  }
0x1f: {  	[hbm4b:s12+s2] =	stream.linear.scatter [tilespmem:s7], [sflag:$0x2], $0x200, $0x38;
	[tilespmem:$0x340] =	vst v63  }
0x20: {  	_ =	swait.ge [sflag:s3], $0x200  }
0x21: {  	[sflag:s3] =	ssyncset.done $0x0  }
0x22: {  	s13 =	simm.s32 $0xC0;
	[sflag:s3] =	ssyncadd.s32 $0xFFFFFE00  }
0x23: {  	[tilespmem:s7], [sflag:$0x1] =	stream.indirect.gather [hbm4b:s5+s6], $0x8, s13, s6, $0xb8;
	[tilespmem:$0x340] =	vst v63  }
0x24: {  	_ =	swait.ge [sflag:s8], $0x200  }
0x25: {  	[sflag:s8] =	ssyncset.done $0x0  }
0x26: {  	s17 =	ssub.s32 $0x2, s15;
	s14 =	sadd.s32 $0xC0, s16;
	[sflag:s8] =	ssyncadd.s32 $0xFFFFFE00  }
0x27: {  	[hbm4b:s14+s2] =	stream.linear.scatter [tilespmem:s7], [sflag:$0x2], $0x200, $0x38;
	[tilespmem:$0x340] =	vst v63  }
0x28: {  	s18 =	sshrl.u32 s17, $0x1;
	_ =	swait.ge [sflag:s3], $0x200  }
0x29: {  	s17 =	ssub.s32 s17, s18;
	[sflag:s3] =	ssyncset.done $0x0  }
0x2a: {  	s15 =	simm.s32 $0x100;
	s17 =	smax.u32 s17, $0x1;
	[sflag:s3] =	ssyncadd.s32 $0xFFFFFE00  }
0x2b: {  	[tilespmem:s7], [sflag:$0x1] =	stream.indirect.gather [hbm4b:s5+s6], $0x8, s15, s6, $0xb8;
	[tilespmem:$0x340] =	vst v63  }
0x2c: {  	p0 =	sne.s32 s17, $0x1;
	_ =	swait.ge [sflag:s8], $0x200  }
.Ltmp0:
0x2d: {  	[sflag:s8] =	ssyncset.done $0x0;
	(pc) =	sbr.rel @!p0 .LBB2_2-.Ltmp0, $4  }
0x2e: {  	s16 =	sadd.s32 $0x100, s16;
	[sflag:s8] =	ssyncadd.s32 $0xFFFFFE00  }
0x2f: {  	[hbm4b:s16+s2] =	stream.linear.scatter [tilespmem:s7], [sflag:$0x2], $0x200, $0x38;
	[tilespmem:$0x340] =	vst v63  }
0x30: {  	_ =	swait.ge [sflag:s3], $0x200  }
0x31: {  	s17 =	sadd.s32 $0xFFFFFFFF, s17;
	[sflag:s3] =	ssyncset.done $0x0  }
.LBB2_1:
0x32: {  	p0 =	sne.s32 s17, $0x1;
	s17 =	sadd.s32 $0xFFFFFFFF, s17;
	[sflag:s3] =	ssyncadd.s32 $0xFFFFFE00  }
0x33: {  	[tilespmem:s2], [sflag:$0x2] =	stream.linear.gather [hbm4b:s4+s2], $0x140, $0x38;
	[tilespmem:$0x340] =	vst v63  }
0x34: {  	_ =	swait.ge [sflag:s3], $0x140  }
0x35: {  	[sflag:s3] =	ssyncset.done $0x0  }
0x36: {  	[sflag:s3] =	ssyncadd.s32 $0xFFFFFEC0  }
0x37: {  	[tilespmem:s7], [sflag:$0x1] =	stream.indirect.gather [hbm4b:s5+s6], $0x8, s2, s6, $0xb8;
	[tilespmem:$0x340] =	vst v63  }
0x38: {  	_ =	swait.ge [sflag:s8], $0x200  }
0x39: {  	[sflag:s8] =	ssyncset.done $0x0  }
0x3a: {  	[sflag:s8] =	ssyncadd.s32 $0xFFFFFE00  }
0x3b: {  	[hbm4b:s9+s2] =	stream.linear.scatter [tilespmem:s7], [sflag:$0x2], $0x200, $0x38;
	[tilespmem:$0x340] =	vst v63  }
0x3c: {  	_ =	swait.ge [sflag:s3], $0x200  }
0x3d: {  	[sflag:s3] =	ssyncset.done $0x0  }
0x3e: {  	[sflag:s3] =	ssyncadd.s32 $0xFFFFFE00  }
0x3f: {  	[tilespmem:s7], [sflag:$0x1] =	stream.indirect.gather [hbm4b:s5+s6], $0x8, s6, s6, $0xb8;
	[tilespmem:$0x340] =	vst v63  }
0x40: {  	_ =	swait.ge [sflag:s8], $0x200  }
0x41: {  	[sflag:s8] =	ssyncset.done $0x0  }
0x42: {  	[sflag:s8] =	ssyncadd.s32 $0xFFFFFE00  }
0x43: {  	[hbm4b:s10+s2] =	stream.linear.scatter [tilespmem:s7], [sflag:$0x2], $0x200, $0x38;
	[tilespmem:$0x340] =	vst v63  }
0x44: {  	_ =	swait.ge [sflag:s3], $0x200  }
0x45: {  	[sflag:s3] =	ssyncset.done $0x0  }
0x46: {  	[sflag:s3] =	ssyncadd.s32 $0xFFFFFE00  }
0x47: {  	[tilespmem:s7], [sflag:$0x1] =	stream.indirect.gather [hbm4b:s5+s6], $0x8, s11, s6, $0xb8;
	[tilespmem:$0x340] =	vst v63  }
0x48: {  	_ =	swait.ge [sflag:s8], $0x200  }
0x49: {  	[sflag:s8] =	ssyncset.done $0x0  }
0x4a: {  	[sflag:s8] =	ssyncadd.s32 $0xFFFFFE00  }
0x4b: {  	[hbm4b:s12+s2] =	stream.linear.scatter [tilespmem:s7], [sflag:$0x2], $0x200, $0x38;
	[tilespmem:$0x340] =	vst v63  }
0x4c: {  	_ =	swait.ge [sflag:s3], $0x200  }
0x4d: {  	[sflag:s3] =	ssyncset.done $0x0  }
0x4e: {  	[sflag:s3] =	ssyncadd.s32 $0xFFFFFE00  }
0x4f: {  	[tilespmem:s7], [sflag:$0x1] =	stream.indirect.gather [hbm4b:s5+s6], $0x8, s13, s6, $0xb8;
	[tilespmem:$0x340] =	vst v63  }
0x50: {  	_ =	swait.ge [sflag:s8], $0x200  }
0x51: {  	[sflag:s8] =	ssyncset.done $0x0  }
0x52: {  	[sflag:s8] =	ssyncadd.s32 $0xFFFFFE00  }
0x53: {  	[hbm4b:s14+s2] =	stream.linear.scatter [tilespmem:s7], [sflag:$0x2], $0x200, $0x38;
	[tilespmem:$0x340] =	vst v63  }
0x54: {  	_ =	swait.ge [sflag:s3], $0x200  }
0x55: {  	[sflag:s3] =	ssyncset.done $0x0  }
0x56: {  	[sflag:s3] =	ssyncadd.s32 $0xFFFFFE00  }
0x57: {  	[tilespmem:s7], [sflag:$0x1] =	stream.indirect.gather [hbm4b:s5+s6], $0x8, s15, s6, $0xb8;
	[tilespmem:$0x340] =	vst v63  }
0x58: {  	_ =	swait.ge [sflag:s8], $0x200  }
.Ltmp1:
0x59: {  	[sflag:s8] =	ssyncset.done $0x0;
	(pc) =	sbr.rel @p0 .LBB2_1-.Ltmp1, $4  }
0x5a: {  	[sflag:s8] =	ssyncadd.s32 $0xFFFFFE00  }
0x5b: {  	[hbm4b:s16+s2] =	stream.linear.scatter [tilespmem:s7], [sflag:$0x2], $0x200, $0x38;
	[tilespmem:$0x340] =	vst v63  }
0x5c: {  	_ =	swait.ge [sflag:s3], $0x200  }
0x5d: {  	[sflag:s3] =	ssyncset.done $0x0  }
.LBB2_2:
0x5e: {  	[sflag:s3] =	ssyncadd.s32 $0xFFFFFE00  }
0x5f: {  	_ =	sfence.sel $0x180000  }
0x60: {  	[bflag:$0x0] =	sbarrier.arrive $0xFFFF  }
0x61: {  	p0 =	sne.s32 s0, $0x0;
	_ =	strace $0x90000047  }
0x62: {  	s0 =	sadd.s32 @!p0 $0x100000, s1;
	[bflag:$0x2] =	sbarrier.arrive $0xFFFF  }
0x63: {  	[sflag:s0] =	ssyncadd.tile.s32 @!p0 $0x1;
	_ =	shalt  }
.Lfunc_end2:
_tile_overlayer_lowered:
.L_overlay_start_2:
0x64: {  	(tag) =	ssettag $0x2  }
0x65: {  	s0 =	rddreg [dreg:$0x0];
	s2 =	stileid.u32  }
0x66: {  	s1 =	rddreg [dreg:$0x1];
	p0 =	sne.s32 s2, $0x0  }
0x67: {  	s3 =	rddreg [dreg:$0x2];
	[bflag:$0x3] =	sbarrier.arrive $0xFFFF;
	s2 =	simm.s32 @!p0 $0x1C02  }
0x68: {  	[timem:s3], [sflag:s2] =	dma.local @!p0 [hbm:s0], s1  }
0x69: {  	s0 =	simm.s32 @!p0 $0x2  }
0x6a: {  	_ =	swait.ge @!p0 [sflag:s0], s1  }
0x6b: {  	s1 =	ssub.s32 @!p0 $0x0, s1;
	[sflag:s0] =	ssyncset.done @!p0 $0x0  }
0x6c: {  	[sflag:s0] =	ssyncadd.s32 @!p0 s1  }
0x6d: {  	[bflag:$0x3] =	sbarrier.arrive $0xFFFF  }
0x6e: {  	_ =	shalt  }

</sc_bundles>
